<compile_context>
chip_gen: v7x
topology: tpu7x:2x2x1
jax: 0.10.2.dev20260603
libtpu: 0.0.44.dev20260713+nightly
codegen_flags: <defaults>
</compile_context>

<pallas_src>
import jax
import jax.numpy as jnp
from jax import lax
from jax.experimental import pallas as pl
from jax.experimental.pallas import tpu as pltpu
from jax.experimental.pallas import tpu_sc as plsc

N = 1024
E = 65536
OUT = 256
NC, NS = 2, 16
NW = NC * NS
L = 16
CHUNK = E // NW
NVEC = CHUNK // L
UNROLL = 2
R = 4


def _dot_nt(a, b):
    return lax.dot_general(a, b, (((1,), (1,)), ((), ())),
                           preferred_element_type=jnp.float32)


def _outer_rc(u, v):
    return lax.dot_general(u, v, (((0,), (1,)), ((), ())),
                           preferred_element_type=jnp.float32)



def _sc_agg_body(ei1, ei2, ei3, a_hbm, out,
                 a_v, s1v, d1v, s2v, d2v, s3v,
                 acc_s1, acc_c1, acc_s2, acc_c2, acc_c3, red, sem):
    wid = lax.axis_index("s") * NC + lax.axis_index("c")
    base = wid * CHUNK
    accs = (acc_s1, acc_c1, acc_s2, acc_c2, acc_c3)

    copies = [
        pltpu.async_copy(a_hbm.at[0], a_v, sem),
        pltpu.async_copy(ei1.at[0, pl.ds(base, CHUNK)], s1v, sem),
        pltpu.async_copy(ei1.at[1, pl.ds(base, CHUNK)], d1v, sem),
        pltpu.async_copy(ei2.at[0, pl.ds(base, CHUNK)], s2v, sem),
        pltpu.async_copy(ei2.at[1, pl.ds(base, CHUNK)], d2v, sem),
        pltpu.async_copy(ei3.at[0, pl.ds(base, CHUNK)], s3v, sem),
    ]

    zeros16 = jnp.zeros((L,), jnp.float32)
    ones16 = jnp.ones((L,), jnp.float32)
    lane = lax.iota(jnp.int32, L)
    row = lane & (R - 1)
    grp = lane // R
    masks = [grp == g for g in range(L // R)]

    @plsc.parallel_loop(0, N // L, unroll=2)
    def _(c):
        for acc in accs:
            for r in range(R):
                acc[r, pl.ds(c * L, L)] = zeros16

    for cp in copies:
        cp.wait()

    @plsc.parallel_loop(0, NVEC, unroll=UNROLL)
    def _(i):
        b = i * L
        sv1 = s1v[pl.ds(b, L)]
        dv1 = d1v[pl.ds(b, L)]
        av1 = plsc.load_gather(a_v, [sv1])
        sv2 = s2v[pl.ds(b, L)]
        dv2 = d2v[pl.ds(b, L)]
        av2 = plsc.load_gather(a_v, [sv2])
        sv3 = s3v[pl.ds(b, L)]
        for m in masks:
            plsc.addupdate_scatter(acc_s1, [row, dv1], av1, mask=m)
            plsc.addupdate_scatter(acc_c1, [row, dv1], ones16, mask=m)
            plsc.addupdate_scatter(acc_s2, [row, dv2], av2, mask=m)
            plsc.addupdate_scatter(acc_c2, [row, dv2], ones16, mask=m)
            plsc.addupdate_scatter(acc_c3, [row, sv3], ones16, mask=m)

    @plsc.parallel_loop(0, N // L, unroll=2)
    def _(c):
        for q, acc in enumerate(accs):
            s = acc[0, pl.ds(c * L, L)]
            for r in range(1, R):
                s = s + acc[r, pl.ds(c * L, L)]
            red[q, pl.ds(c * L, L)] = s

    pltpu.sync_copy(red, out.at[wid])


def _sc_agg(ei1, ei2, ei3, a_row):
    return pl.kernel(
        _sc_agg_body,
        out_type=jax.ShapeDtypeStruct((NW, 5, N), jnp.float32),
        mesh=plsc.VectorSubcoreMesh(core_axis_name="c", subcore_axis_name="s",
                                    num_cores=NC, num_subcores=NS),
        compiler_params=pltpu.CompilerParams(needs_layout_passes=False),
        scratch_types=[
            pltpu.VMEM((N,), jnp.float32),
            pltpu.VMEM((CHUNK,), jnp.int32),
            pltpu.VMEM((CHUNK,), jnp.int32),
            pltpu.VMEM((CHUNK,), jnp.int32),
            pltpu.VMEM((CHUNK,), jnp.int32),
            pltpu.VMEM((CHUNK,), jnp.int32),
            pltpu.VMEM((R, N), jnp.float32),
            pltpu.VMEM((R, N), jnp.float32),
            pltpu.VMEM((R, N), jnp.float32),
            pltpu.VMEM((R, N), jnp.float32),
            pltpu.VMEM((R, N), jnp.float32),
            pltpu.VMEM((5, N), jnp.float32),
            pltpu.SemaphoreType.DMA,
        ],
    )(ei1, ei2, ei3, a_row)



def _proj_body(art_ref, w1_ref, b1_ref, comm_ref, w2_ref, b2_ref,
               a_ref, cx_ref):
    a_ref[...] = _dot_nt(art_ref[...], w1_ref[...]) + b1_ref[...]
    cx_ref[...] = _dot_nt(comm_ref[...], w2_ref[...]) + b2_ref[...]


def _dense_body(p_ref, cx_ref, comm_ref,
                wl1_ref, bl1_ref, wr1_ref,
                wl2_ref, bl2_ref, wr2_ref,
                wl3_ref, bl3_ref, wr3_ref,
                w3_ref, b3_ref, out_ref):
    def rowsum(q):
        return jnp.sum(p_ref[:, q, :], axis=0, keepdims=True)

    s1, c1 = rowsum(0), rowsum(1)
    s2, c2 = rowsum(2), rowsum(3)
    cnt3 = rowsum(4)
    mean1 = s1 / jnp.maximum(c1, 1.0)
    mean2 = s2 / jnp.maximum(c2, 1.0)

    h1 = jnp.maximum(
        _outer_rc(mean1, wl1_ref[...]) + bl1_ref[...]
        + _outer_rc(cx_ref[...], wr1_ref[...]), 0.0)
    h2 = jnp.maximum(
        _outer_rc(mean2, wl2_ref[...]) + bl2_ref[...]
        + _dot_nt(h1, wr2_ref[...]), 0.0)
    mean3 = jnp.dot(cnt3, h2, preferred_element_type=jnp.float32) * (1.0 / E)
    h3 = jnp.maximum(
        _dot_nt(mean3, wl3_ref[...]) + bl3_ref[...]
        + _dot_nt(comm_ref[...], wr3_ref[...]), 0.0)
    out_ref[...] = _dot_nt(h3, w3_ref[...]) + b3_ref[...]



def kernel(article_x, community_x, ei_wb, ei_mb, ei_cc,
           W1, b1, W2, b2,
           Wl1, bl1, Wr1, Wl2, bl2, Wr2, Wl3, bl3, Wr3,
           W3, b3):
    f32 = jnp.float32

    a_row, cx_row = pl.pallas_call(
        _proj_body,
        out_shape=(jax.ShapeDtypeStruct((1, N), f32),
                   jax.ShapeDtypeStruct((1, N), f32)),
    )(article_x, W1, b1.reshape(1, N), community_x, W2, b2.reshape(1, N))

    parts = _sc_agg(ei_wb, ei_mb, ei_cc, a_row)

    out = pl.pallas_call(
        _dense_body,
        out_shape=jax.ShapeDtypeStruct((1, OUT), f32),
    )(parts, cx_row, community_x,
      Wl1, bl1.reshape(1, N), Wr1,
      Wl2, bl2.reshape(1, N), Wr2,
      Wl3, bl3.reshape(1, N), Wr3,
      W3, b3.reshape(1, OUT))
    return out

# --- scband reference (transcript-rebuilt; emitter-appended) ---
"""Pipeline reference for scband-proj-community-article-gnnencoder-59785944760472 (READ-ONLY COPY).

The authoritative reference and input builder live on the scoring server;
editing this copy changes nothing except your own understanding.
"""

import jax, jax.numpy as jnp
import numpy as np

H = 1024
OUT = 256
F_ART = 512
F_COMM = 512
N_PROJ = 1024
E = 65536


def _w(key, shape, fan_in):
    return jax.random.normal(key, shape, jnp.float32) * (1.0 / np.sqrt(fan_in))


def setup_inputs(seed: int = 0) -> dict:
    key = jax.random.key(seed)
    ks = jax.random.split(key, 24)
    inp = {}
    inp["article_x"] = jax.random.normal(ks[0], (1, F_ART), jnp.float32)
    inp["community_x"] = jax.random.normal(ks[1], (1, F_COMM), jnp.float32)
    inp["ei_wb"] = jnp.stack([
        jax.random.randint(ks[2], (E,), 0, N_PROJ),
        jax.random.randint(ks[3], (E,), 0, N_PROJ),
    ]).astype(jnp.int32)
    inp["ei_mb"] = jnp.stack([
        jax.random.randint(ks[4], (E,), 0, N_PROJ),
        jax.random.randint(ks[5], (E,), 0, N_PROJ),
    ]).astype(jnp.int32)
    # dst of interacts_with must index the single raw community node (only index 0 valid)
    inp["ei_cc"] = jnp.stack([
        jax.random.randint(ks[6], (E,), 0, N_PROJ),
        jnp.zeros((E,), jnp.int32),
    ]).astype(jnp.int32)
    # lin1 / lin2 lazy projections (materialized)
    inp["W1"] = _w(ks[7], (N_PROJ, F_ART), F_ART); inp["b1"] = jnp.zeros((N_PROJ,), jnp.float32)
    inp["W2"] = _w(ks[8], (N_PROJ, F_COMM), F_COMM); inp["b2"] = jnp.zeros((N_PROJ,), jnp.float32)
    # SAGEConv params: lin_l (bias) applied to mean-aggregated src msgs, lin_r (no bias) to dst feats
    inp["Wl1"] = _w(ks[9], (H, 1), 1); inp["bl1"] = jnp.zeros((H,), jnp.float32)
    inp["Wr1"] = _w(ks[10], (H, 1), 1)
    inp["Wl2"] = _w(ks[11], (H, 1), 1); inp["bl2"] = jnp.zeros((H,), jnp.float32)
    inp["Wr2"] = _w(ks[12], (H, H), H)
    inp["Wl3"] = _w(ks[13], (H, H), H); inp["bl3"] = jnp.zeros((H,), jnp.float32)
    inp["Wr3"] = _w(ks[14], (H, F_COMM), F_COMM)
    inp["W3"] = _w(ks[15], (OUT, H), H); inp["b3"] = jnp.zeros((OUT,), jnp.float32)
    return inp


def _sage(x_src, x_dst, ei, Wl, bl, Wr):
    src, dst = ei[0], ei[1]
    msg = jnp.take(x_src, src, axis=0)
    n = x_dst.shape[0]
    s = jax.ops.segment_sum(msg, dst, num_segments=n)
    c = jax.ops.segment_sum(jnp.ones((src.shape[0],), msg.dtype), dst, num_segments=n)
    mean = s / jnp.clip(c, 1.0)[:, None]
    return mean @ Wl.T + bl + x_dst @ Wr.T


def reference(article_x, community_x, ei_wb, ei_mb, ei_cc,
              W1, b1, W2, b2,
              Wl1, bl1, Wr1, Wl2, bl2, Wr2, Wl3, bl3, Wr3,
              W3, b3):
    a = (article_x @ W1.T + b1).reshape(N_PROJ, 1)
    cx = (community_x @ W2.T + b2).reshape(N_PROJ, 1)
    h1 = jax.nn.relu(_sage(a, cx, ei_wb, Wl1, bl1, Wr1))
    h2 = jax.nn.relu(_sage(a, h1, ei_mb, Wl2, bl2, Wr2))
    h3 = jax.nn.relu(_sage(h2, community_x, ei_cc, Wl3, bl3, Wr3))
    return h3 @ W3.T + b3

if __name__ == "__main__":
    import jax
    _d = setup_inputs()
    print(jax.jit(kernel)(*tuple(_d.values())))

</pallas_src>

<mosaic_0001>
#map = affine_map<(d0, d1) -> (0, 0)>
#map1 = affine_map<(d0, d1) -> (0, 0, 0)>
module attributes {stable_mosaic.version = 14 : i64} {
  func.func @_sc_agg_body(%arg0: i32, %arg1: i32, %arg2: memref<2x65536xi32, #tpu.memory_space<hbm>>, %arg3: memref<2x65536xi32, #tpu.memory_space<hbm>>, %arg4: memref<2x65536xi32, #tpu.memory_space<hbm>>, %arg5: memref<1x1024xf32, #tpu.memory_space<hbm>>, %arg6: memref<32x5x1024xf32, #tpu.memory_space<hbm>>, %arg7: memref<1024xf32, #tpu.memory_space<vmem>>, %arg8: memref<2048xi32, #tpu.memory_space<vmem>>, %arg9: memref<2048xi32, #tpu.memory_space<vmem>>, %arg10: memref<2048xi32, #tpu.memory_space<vmem>>, %arg11: memref<2048xi32, #tpu.memory_space<vmem>>, %arg12: memref<2048xi32, #tpu.memory_space<vmem>>, %arg13: memref<4x1024xf32, #tpu.memory_space<vmem>>, %arg14: memref<4x1024xf32, #tpu.memory_space<vmem>>, %arg15: memref<4x1024xf32, #tpu.memory_space<vmem>>, %arg16: memref<4x1024xf32, #tpu.memory_space<vmem>>, %arg17: memref<4x1024xf32, #tpu.memory_space<vmem>>, %arg18: memref<5x1024xf32, #tpu.memory_space<vmem>>, %arg19: memref<!tpu.dma_semaphore, #tpu.memory_space<semaphore_mem>>) attributes {dimension_semantics = [#tpu.dimension_semantics<core_parallel>, #tpu.dimension_semantics<subcore_parallel>], iteration_bounds = array<i64: 2, 16>, scalar_prefetch = 0 : i64, scratch_operands = 13 : i64, tpu.core_type = #tpu.core_type<sc_vector_subcore>, window_params = [{transform_indices = #map}, {transform_indices = #map}, {transform_indices = #map}, {transform_indices = #map}, {transform_indices = #map1}]} {
    %mul3A = arith.constant 2 : i32
    %mul3A_0 = arith.muli %arg1, %mul3A : i32
    %add3A = arith.addi %mul3A_0, %arg0 : i32
    %mul3A_1 = arith.constant 2048 : i32
    %mul3A_2 = arith.muli %add3A, %mul3A_1 : i32
    %dma_start3A = arith.constant 0 : i32
    %dma_start3A_3 = arith.constant 0 : i32
    %dma_start3A_4 = tpu.memref_slice %arg5[%dma_start3A, %dma_start3A_3] : memref<1x1024xf32, #tpu.memory_space<hbm>> -> memref<1x1024xf32, #tpu.memory_space<hbm>>
    %dma_start3A_5 = tpu.memref_squeeze %dma_start3A_4 : memref<1x1024xf32, #tpu.memory_space<hbm>> -> memref<1024xf32, #tpu.memory_space<hbm>>
    %dma_start3A_6 = arith.constant 0 : i32
    %dma_start3A_7 = tpu.memref_slice %arg5[%dma_start3A, %dma_start3A_6] : memref<1x1024xf32, #tpu.memory_space<hbm>> -> memref<1x1024xf32, #tpu.memory_space<hbm>>
    %dma_start3A_8 = tpu.memref_squeeze %dma_start3A_7 : memref<1x1024xf32, #tpu.memory_space<hbm>> -> memref<1024xf32, #tpu.memory_space<hbm>>
    tpu.enqueue_dma source(%dma_start3A_8 : memref<1024xf32, #tpu.memory_space<hbm>>) target(%arg7 : memref<1024xf32, #tpu.memory_space<vmem>>) target_semaphore(%arg19 : memref<!tpu.dma_semaphore, #tpu.memory_space<semaphore_mem>>)
    %dma_start3A_9 = arith.constant 0 : i32
    %dma_start3A_10 = tpu.memref_slice %arg2[%dma_start3A_9, %mul3A_2] : memref<2x65536xi32, #tpu.memory_space<hbm>> -> memref<1x2048xi32, #tpu.memory_space<hbm>>
    %dma_start3A_11 = tpu.memref_squeeze %dma_start3A_10 : memref<1x2048xi32, #tpu.memory_space<hbm>> -> memref<2048xi32, #tpu.memory_space<hbm>>
    %dma_start3A_12 = tpu.memref_slice %arg2[%dma_start3A_9, %mul3A_2] : memref<2x65536xi32, #tpu.memory_space<hbm>> -> memref<1x2048xi32, #tpu.memory_space<hbm>>
    %dma_start3A_13 = tpu.memref_squeeze %dma_start3A_12 : memref<1x2048xi32, #tpu.memory_space<hbm>> -> memref<2048xi32, #tpu.memory_space<hbm>>
    tpu.enqueue_dma source(%dma_start3A_13 : memref<2048xi32, #tpu.memory_space<hbm>>) target(%arg8 : memref<2048xi32, #tpu.memory_space<vmem>>) target_semaphore(%arg19 : memref<!tpu.dma_semaphore, #tpu.memory_space<semaphore_mem>>)
    %dma_start3A_14 = arith.constant 1 : i32
    %dma_start3A_15 = tpu.memref_slice %arg2[%dma_start3A_14, %mul3A_2] : memref<2x65536xi32, #tpu.memory_space<hbm>> -> memref<1x2048xi32, #tpu.memory_space<hbm>>
    %dma_start3A_16 = tpu.memref_squeeze %dma_start3A_15 : memref<1x2048xi32, #tpu.memory_space<hbm>> -> memref<2048xi32, #tpu.memory_space<hbm>>
    %dma_start3A_17 = tpu.memref_slice %arg2[%dma_start3A_14, %mul3A_2] : memref<2x65536xi32, #tpu.memory_space<hbm>> -> memref<1x2048xi32, #tpu.memory_space<hbm>>
    %dma_start3A_18 = tpu.memref_squeeze %dma_start3A_17 : memref<1x2048xi32, #tpu.memory_space<hbm>> -> memref<2048xi32, #tpu.memory_space<hbm>>
    tpu.enqueue_dma source(%dma_start3A_18 : memref<2048xi32, #tpu.memory_space<hbm>>) target(%arg9 : memref<2048xi32, #tpu.memory_space<vmem>>) target_semaphore(%arg19 : memref<!tpu.dma_semaphore, #tpu.memory_space<semaphore_mem>>)
    %dma_start3A_19 = arith.constant 0 : i32
    %dma_start3A_20 = tpu.memref_slice %arg3[%dma_start3A_19, %mul3A_2] : memref<2x65536xi32, #tpu.memory_space<hbm>> -> memref<1x2048xi32, #tpu.memory_space<hbm>>
    %dma_start3A_21 = tpu.memref_squeeze %dma_start3A_20 : memref<1x2048xi32, #tpu.memory_space<hbm>> -> memref<2048xi32, #tpu.memory_space<hbm>>
    %dma_start3A_22 = tpu.memref_slice %arg3[%dma_start3A_19, %mul3A_2] : memref<2x65536xi32, #tpu.memory_space<hbm>> -> memref<1x2048xi32, #tpu.memory_space<hbm>>
    %dma_start3A_23 = tpu.memref_squeeze %dma_start3A_22 : memref<1x2048xi32, #tpu.memory_space<hbm>> -> memref<2048xi32, #tpu.memory_space<hbm>>
    tpu.enqueue_dma source(%dma_start3A_23 : memref<2048xi32, #tpu.memory_space<hbm>>) target(%arg10 : memref<2048xi32, #tpu.memory_space<vmem>>) target_semaphore(%arg19 : memref<!tpu.dma_semaphore, #tpu.memory_space<semaphore_mem>>)
    %dma_start3A_24 = arith.constant 1 : i32
    %dma_start3A_25 = tpu.memref_slice %arg3[%dma_start3A_24, %mul3A_2] : memref<2x65536xi32, #tpu.memory_space<hbm>> -> memref<1x2048xi32, #tpu.memory_space<hbm>>
    %dma_start3A_26 = tpu.memref_squeeze %dma_start3A_25 : memref<1x2048xi32, #tpu.memory_space<hbm>> -> memref<2048xi32, #tpu.memory_space<hbm>>
    %dma_start3A_27 = tpu.memref_slice %arg3[%dma_start3A_24, %mul3A_2] : memref<2x65536xi32, #tpu.memory_space<hbm>> -> memref<1x2048xi32, #tpu.memory_space<hbm>>
    %dma_start3A_28 = tpu.memref_squeeze %dma_start3A_27 : memref<1x2048xi32, #tpu.memory_space<hbm>> -> memref<2048xi32, #tpu.memory_space<hbm>>
    tpu.enqueue_dma source(%dma_start3A_28 : memref<2048xi32, #tpu.memory_space<hbm>>) target(%arg11 : memref<2048xi32, #tpu.memory_space<vmem>>) target_semaphore(%arg19 : memref<!tpu.dma_semaphore, #tpu.memory_space<semaphore_mem>>)
    %dma_start3A_29 = arith.constant 0 : i32
    %dma_start3A_30 = tpu.memref_slice %arg4[%dma_start3A_29, %mul3A_2] : memref<2x65536xi32, #tpu.memory_space<hbm>> -> memref<1x2048xi32, #tpu.memory_space<hbm>>
    %dma_start3A_31 = tpu.memref_squeeze %dma_start3A_30 : memref<1x2048xi32, #tpu.memory_space<hbm>> -> memref<2048xi32, #tpu.memory_space<hbm>>
    %dma_start3A_32 = tpu.memref_slice %arg4[%dma_start3A_29, %mul3A_2] : memref<2x65536xi32, #tpu.memory_space<hbm>> -> memref<1x2048xi32, #tpu.memory_space<hbm>>
    %dma_start3A_33 = tpu.memref_squeeze %dma_start3A_32 : memref<1x2048xi32, #tpu.memory_space<hbm>> -> memref<2048xi32, #tpu.memory_space<hbm>>
    tpu.enqueue_dma source(%dma_start3A_33 : memref<2048xi32, #tpu.memory_space<hbm>>) target(%arg12 : memref<2048xi32, #tpu.memory_space<vmem>>) target_semaphore(%arg19 : memref<!tpu.dma_semaphore, #tpu.memory_space<semaphore_mem>>)
    %broadcast_in_dim3A = arith.constant 0.000000e+00 : f32
    %broadcast_in_dim3A_34 = vector.broadcast %broadcast_in_dim3A : f32 to vector<16xf32>
    %broadcast_in_dim3A_35 = arith.constant 1.000000e+00 : f32
    %broadcast_in_dim3A_36 = vector.broadcast %broadcast_in_dim3A_35 : f32 to vector<16xf32>
    %iota3A = tpu.iota {dimensions = array<i32: 0>} : vector<16xi32>
    %and3A = arith.constant 3 : i32
    %and3A_37 = vector.broadcast %and3A : i32 to vector<16xi32>
    %and3A_38 = arith.andi %iota3A, %and3A_37 : vector<16xi32>
    %jit3A = arith.constant 4 : i32
    %div3A = vector.broadcast %jit3A : i32 to vector<16xi32>
    %div3A_39 = arith.divsi %iota3A, %div3A : vector<16xi32>
    %sign3A = arith.constant 0 : i32
    %sign3A_40 = vector.broadcast %sign3A : i32 to vector<16xi32>
    %sign3A_41 = arith.cmpi sgt, %iota3A, %sign3A_40 : vector<16xi32>
    %sign3A_42 = arith.extui %sign3A_41 : vector<16xi1> to vector<16xi32>
    %sign3A_43 = arith.constant 0 : i32
    %sign3A_44 = vector.broadcast %sign3A_43 : i32 to vector<16xi32>
    %sign3A_45 = arith.cmpi slt, %iota3A, %sign3A_44 : vector<16xi32>
    %sign3A_46 = arith.extui %sign3A_45 : vector<16xi1> to vector<16xi32>
    %sign3A_47 = arith.subi %sign3A_42, %sign3A_46 : vector<16xi32>
    %sign3A_48 = arith.constant 0 : i32
    %sign3A_49 = arith.cmpi sgt, %jit3A, %sign3A_48 : i32
    %sign3A_50 = arith.extui %sign3A_49 : i1 to i32
    %sign3A_51 = arith.constant 0 : i32
    %sign3A_52 = arith.cmpi slt, %jit3A, %sign3A_51 : i32
    %sign3A_53 = arith.extui %sign3A_52 : i1 to i32
    %sign3A_54 = arith.subi %sign3A_50, %sign3A_53 : i32
    %ne3A = vector.broadcast %sign3A_54 : i32 to vector<16xi32>
    %ne3A_55 = arith.cmpi ne, %sign3A_47, %ne3A : vector<16xi32>
    %rem3A = vector.broadcast %jit3A : i32 to vector<16xi32>
    %rem3A_56 = arith.remsi %iota3A, %rem3A : vector<16xi32>
    %ne3A_57 = arith.constant 0 : i32
    %ne3A_58 = vector.broadcast %ne3A_57 : i32 to vector<16xi32>
    %ne3A_59 = arith.cmpi ne, %rem3A_56, %ne3A_58 : vector<16xi32>
    %and3A_60 = arith.andi %ne3A_55, %ne3A_59 : vector<16xi1>
    %sub3A = arith.constant 1 : i32
    %sub3A_61 = vector.broadcast %sub3A : i32 to vector<16xi32>
    %sub3A_62 = arith.subi %div3A_39, %sub3A_61 : vector<16xi32>
    %select_n3A = arith.select %and3A_60, %sub3A_62, %div3A_39 : vector<16xi1>, vector<16xi32>
    %eq3A = arith.constant 0 : i32
    %eq3A_63 = vector.broadcast %eq3A : i32 to vector<16xi32>
    %eq3A_64 = arith.cmpi eq, %select_n3A, %eq3A_63 : vector<16xi32>
    %eq3A_65 = arith.constant 1 : i32
    %eq3A_66 = vector.broadcast %eq3A_65 : i32 to vector<16xi32>
    %eq3A_67 = arith.cmpi eq, %select_n3A, %eq3A_66 : vector<16xi32>
    %eq3A_68 = arith.constant 2 : i32
    %eq3A_69 = vector.broadcast %eq3A_68 : i32 to vector<16xi32>
    %eq3A_70 = arith.cmpi eq, %select_n3A, %eq3A_69 : vector<16xi32>
    %eq3A_71 = arith.constant 3 : i32
    %eq3A_72 = vector.broadcast %eq3A_71 : i32 to vector<16xi32>
    %eq3A_73 = arith.cmpi eq, %select_n3A, %eq3A_72 : vector<16xi32>
    %parallel_loop3A = arith.constant 0 : i32
    %parallel_loop3A_74 = arith.constant 64 : i32
    %parallel_loop3A_75 = arith.constant 1 : i32
    scf.for %parallel_loop3A_113 = %parallel_loop3A to %parallel_loop3A_74 step %parallel_loop3A_75  : i32 {
      %parallel_loop3A_114 = arith.constant 16 : i32
      %parallel_loop3A_115 = arith.muli %parallel_loop3A_113, %parallel_loop3A_114 : i32
      %parallel_loop3A_116 = arith.constant 0 : i32
      %parallel_loop3A_117 = arith.index_cast %parallel_loop3A_116 : i32 to index
      %parallel_loop3A_118 = arith.index_cast %parallel_loop3A_115 : i32 to index
      %parallel_loop3A_119 = tpu.vector_load %arg13[%parallel_loop3A_117, %parallel_loop3A_118] {strides = array<i32>} : memref<4x1024xf32, #tpu.memory_space<vmem>>, vector<16xf32>,
      tpu.vector_store %arg13[%parallel_loop3A_117, %parallel_loop3A_118], %broadcast_in_dim3A_34 {strides = array<i32>} : memref<4x1024xf32, #tpu.memory_space<vmem>>, vector<16xf32>,
      %parallel_loop3A_120 = arith.constant 16 : i32
      %parallel_loop3A_121 = arith.muli %parallel_loop3A_113, %parallel_loop3A_120 : i32
      %parallel_loop3A_122 = arith.constant 1 : i32
      %parallel_loop3A_123 = arith.index_cast %parallel_loop3A_122 : i32 to index
      %parallel_loop3A_124 = arith.index_cast %parallel_loop3A_121 : i32 to index
      %parallel_loop3A_125 = tpu.vector_load %arg13[%parallel_loop3A_123, %parallel_loop3A_124] {strides = array<i32>} : memref<4x1024xf32, #tpu.memory_space<vmem>>, vector<16xf32>,
      tpu.vector_store %arg13[%parallel_loop3A_123, %parallel_loop3A_124], %broadcast_in_dim3A_34 {strides = array<i32>} : memref<4x1024xf32, #tpu.memory_space<vmem>>, vector<16xf32>,
      %parallel_loop3A_126 = arith.constant 16 : i32
      %parallel_loop3A_127 = arith.muli %parallel_loop3A_113, %parallel_loop3A_126 : i32
      %parallel_loop3A_128 = arith.constant 2 : i32
      %parallel_loop3A_129 = arith.index_cast %parallel_loop3A_128 : i32 to index
      %parallel_loop3A_130 = arith.index_cast %parallel_loop3A_127 : i32 to index
      %parallel_loop3A_131 = tpu.vector_load %arg13[%parallel_loop3A_129, %parallel_loop3A_130] {strides = array<i32>} : memref<4x1024xf32, #tpu.memory_space<vmem>>, vector<16xf32>,
      tpu.vector_store %arg13[%parallel_loop3A_129, %parallel_loop3A_130], %broadcast_in_dim3A_34 {strides = array<i32>} : memref<4x1024xf32, #tpu.memory_space<vmem>>, vector<16xf32>,
      %parallel_loop3A_132 = arith.constant 16 : i32
      %parallel_loop3A_133 = arith.muli %parallel_loop3A_113, %parallel_loop3A_132 : i32
      %parallel_loop3A_134 = arith.constant 3 : i32
      %parallel_loop3A_135 = arith.index_cast %parallel_loop3A_134 : i32 to index
      %parallel_loop3A_136 = arith.index_cast %parallel_loop3A_133 : i32 to index
      %parallel_loop3A_137 = tpu.vector_load %arg13[%parallel_loop3A_135, %parallel_loop3A_136] {strides = array<i32>} : memref<4x1024xf32, #tpu.memory_space<vmem>>, vector<16xf32>,
      tpu.vector_store %arg13[%parallel_loop3A_135, %parallel_loop3A_136], %broadcast_in_dim3A_34 {strides = array<i32>} : memref<4x1024xf32, #tpu.memory_space<vmem>>, vector<16xf32>,
      %parallel_loop3A_138 = arith.constant 16 : i32
      %parallel_loop3A_139 = arith.muli %parallel_loop3A_113, %parallel_loop3A_138 : i32
      %parallel_loop3A_140 = arith.constant 0 : i32
      %parallel_loop3A_141 = arith.index_cast %parallel_loop3A_140 : i32 to index
      %parallel_loop3A_142 = arith.index_cast %parallel_loop3A_139 : i32 to index
      %parallel_loop3A_143 = tpu.vector_load %arg14[%parallel_loop3A_141, %parallel_loop3A_142] {strides = array<i32>} : memref<4x1024xf32, #tpu.memory_space<vmem>>, vector<16xf32>,
      tpu.vector_store %arg14[%parallel_loop3A_141, %parallel_loop3A_142], %broadcast_in_dim3A_34 {strides = array<i32>} : memref<4x1024xf32, #tpu.memory_space<vmem>>, vector<16xf32>,
      %parallel_loop3A_144 = arith.constant 16 : i32
      %parallel_loop3A_145 = arith.muli %parallel_loop3A_113, %parallel_loop3A_144 : i32
      %parallel_loop3A_146 = arith.constant 1 : i32
      %parallel_loop3A_147 = arith.index_cast %parallel_loop3A_146 : i32 to index
      %parallel_loop3A_148 = arith.index_cast %parallel_loop3A_145 : i32 to index
      %parallel_loop3A_149 = tpu.vector_load %arg14[%parallel_loop3A_147, %parallel_loop3A_148] {strides = array<i32>} : memref<4x1024xf32, #tpu.memory_space<vmem>>, vector<16xf32>,
      tpu.vector_store %arg14[%parallel_loop3A_147, %parallel_loop3A_148], %broadcast_in_dim3A_34 {strides = array<i32>} : memref<4x1024xf32, #tpu.memory_space<vmem>>, vector<16xf32>,
      %parallel_loop3A_150 = arith.constant 16 : i32
      %parallel_loop3A_151 = arith.muli %parallel_loop3A_113, %parallel_loop3A_150 : i32
      %parallel_loop3A_152 = arith.constant 2 : i32
      %parallel_loop3A_153 = arith.index_cast %parallel_loop3A_152 : i32 to index
      %parallel_loop3A_154 = arith.index_cast %parallel_loop3A_151 : i32 to index
      %parallel_loop3A_155 = tpu.vector_load %arg14[%parallel_loop3A_153, %parallel_loop3A_154] {strides = array<i32>} : memref<4x1024xf32, #tpu.memory_space<vmem>>, vector<16xf32>,
      tpu.vector_store %arg14[%parallel_loop3A_153, %parallel_loop3A_154], %broadcast_in_dim3A_34 {strides = array<i32>} : memref<4x1024xf32, #tpu.memory_space<vmem>>, vector<16xf32>,
      %parallel_loop3A_156 = arith.constant 16 : i32
      %parallel_loop3A_157 = arith.muli %parallel_loop3A_113, %parallel_loop3A_156 : i32
      %parallel_loop3A_158 = arith.constant 3 : i32
      %parallel_loop3A_159 = arith.index_cast %parallel_loop3A_158 : i32 to index
      %parallel_loop3A_160 = arith.index_cast %parallel_loop3A_157 : i32 to index
      %parallel_loop3A_161 = tpu.vector_load %arg14[%parallel_loop3A_159, %parallel_loop3A_160] {strides = array<i32>} : memref<4x1024xf32, #tpu.memory_space<vmem>>, vector<16xf32>,
      tpu.vector_store %arg14[%parallel_loop3A_159, %parallel_loop3A_160], %broadcast_in_dim3A_34 {strides = array<i32>} : memref<4x1024xf32, #tpu.memory_space<vmem>>, vector<16xf32>,
      %parallel_loop3A_162 = arith.constant 16 : i32
      %parallel_loop3A_163 = arith.muli %parallel_loop3A_113, %parallel_loop3A_162 : i32
      %parallel_loop3A_164 = arith.constant 0 : i32
      %parallel_loop3A_165 = arith.index_cast %parallel_loop3A_164 : i32 to index
      %parallel_loop3A_166 = arith.index_cast %parallel_loop3A_163 : i32 to index
      %parallel_loop3A_167 = tpu.vector_load %arg15[%parallel_loop3A_165, %parallel_loop3A_166] {strides = array<i32>} : memref<4x1024xf32, #tpu.memory_space<vmem>>, vector<16xf32>,
      tpu.vector_store %arg15[%parallel_loop3A_165, %parallel_loop3A_166], %broadcast_in_dim3A_34 {strides = array<i32>} : memref<4x1024xf32, #tpu.memory_space<vmem>>, vector<16xf32>,
      %parallel_loop3A_168 = arith.constant 16 : i32
      %parallel_loop3A_169 = arith.muli %parallel_loop3A_113, %parallel_loop3A_168 : i32
      %parallel_loop3A_170 = arith.constant 1 : i32
      %parallel_loop3A_171 = arith.index_cast %parallel_loop3A_170 : i32 to index
      %parallel_loop3A_172 = arith.index_cast %parallel_loop3A_169 : i32 to index
      %parallel_loop3A_173 = tpu.vector_load %arg15[%parallel_loop3A_171, %parallel_loop3A_172] {strides = array<i32>} : memref<4x1024xf32, #tpu.memory_space<vmem>>, vector<16xf32>,
      tpu.vector_store %arg15[%parallel_loop3A_171, %parallel_loop3A_172], %broadcast_in_dim3A_34 {strides = array<i32>} : memref<4x1024xf32, #tpu.memory_space<vmem>>, vector<16xf32>,
      %parallel_loop3A_174 = arith.constant 16 : i32
      %parallel_loop3A_175 = arith.muli %parallel_loop3A_113, %parallel_loop3A_174 : i32
      %parallel_loop3A_176 = arith.constant 2 : i32
      %parallel_loop3A_177 = arith.index_cast %parallel_loop3A_176 : i32 to index
      %parallel_loop3A_178 = arith.index_cast %parallel_loop3A_175 : i32 to index
      %parallel_loop3A_179 = tpu.vector_load %arg15[%parallel_loop3A_177, %parallel_loop3A_178] {strides = array<i32>} : memref<4x1024xf32, #tpu.memory_space<vmem>>, vector<16xf32>,
      tpu.vector_store %arg15[%parallel_loop3A_177, %parallel_loop3A_178], %broadcast_in_dim3A_34 {strides = array<i32>} : memref<4x1024xf32, #tpu.memory_space<vmem>>, vector<16xf32>,
      %parallel_loop3A_180 = arith.constant 16 : i32
      %parallel_loop3A_181 = arith.muli %parallel_loop3A_113, %parallel_loop3A_180 : i32
      %parallel_loop3A_182 = arith.constant 3 : i32
      %parallel_loop3A_183 = arith.index_cast %parallel_loop3A_182 : i32 to index
      %parallel_loop3A_184 = arith.index_cast %parallel_loop3A_181 : i32 to index
      %parallel_loop3A_185 = tpu.vector_load %arg15[%parallel_loop3A_183, %parallel_loop3A_184] {strides = array<i32>} : memref<4x1024xf32, #tpu.memory_space<vmem>>, vector<16xf32>,
      tpu.vector_store %arg15[%parallel_loop3A_183, %parallel_loop3A_184], %broadcast_in_dim3A_34 {strides = array<i32>} : memref<4x1024xf32, #tpu.memory_space<vmem>>, vector<16xf32>,
      %parallel_loop3A_186 = arith.constant 16 : i32
      %parallel_loop3A_187 = arith.muli %parallel_loop3A_113, %parallel_loop3A_186 : i32
      %parallel_loop3A_188 = arith.constant 0 : i32
      %parallel_loop3A_189 = arith.index_cast %parallel_loop3A_188 : i32 to index
      %parallel_loop3A_190 = arith.index_cast %parallel_loop3A_187 : i32 to index
      %parallel_loop3A_191 = tpu.vector_load %arg16[%parallel_loop3A_189, %parallel_loop3A_190] {strides = array<i32>} : memref<4x1024xf32, #tpu.memory_space<vmem>>, vector<16xf32>,
      tpu.vector_store %arg16[%parallel_loop3A_189, %parallel_loop3A_190], %broadcast_in_dim3A_34 {strides = array<i32>} : memref<4x1024xf32, #tpu.memory_space<vmem>>, vector<16xf32>,
      %parallel_loop3A_192 = arith.constant 16 : i32
      %parallel_loop3A_193 = arith.muli %parallel_loop3A_113, %parallel_loop3A_192 : i32
      %parallel_loop3A_194 = arith.constant 1 : i32
      %parallel_loop3A_195 = arith.index_cast %parallel_loop3A_194 : i32 to index
      %parallel_loop3A_196 = arith.index_cast %parallel_loop3A_193 : i32 to index
      %parallel_loop3A_197 = tpu.vector_load %arg16[%parallel_loop3A_195, %parallel_loop3A_196] {strides = array<i32>} : memref<4x1024xf32, #tpu.memory_space<vmem>>, vector<16xf32>,
      tpu.vector_store %arg16[%parallel_loop3A_195, %parallel_loop3A_196], %broadcast_in_dim3A_34 {strides = array<i32>} : memref<4x1024xf32, #tpu.memory_space<vmem>>, vector<16xf32>,
      %parallel_loop3A_198 = arith.constant 16 : i32
      %parallel_loop3A_199 = arith.muli %parallel_loop3A_113, %parallel_loop3A_198 : i32
      %parallel_loop3A_200 = arith.constant 2 : i32
      %parallel_loop3A_201 = arith.index_cast %parallel_loop3A_200 : i32 to index
      %parallel_loop3A_202 = arith.index_cast %parallel_loop3A_199 : i32 to index
      %parallel_loop3A_203 = tpu.vector_load %arg16[%parallel_loop3A_201, %parallel_loop3A_202] {strides = array<i32>} : memref<4x1024xf32, #tpu.memory_space<vmem>>, vector<16xf32>,
      tpu.vector_store %arg16[%parallel_loop3A_201, %parallel_loop3A_202], %broadcast_in_dim3A_34 {strides = array<i32>} : memref<4x1024xf32, #tpu.memory_space<vmem>>, vector<16xf32>,
      %parallel_loop3A_204 = arith.constant 16 : i32
      %parallel_loop3A_205 = arith.muli %parallel_loop3A_113, %parallel_loop3A_204 : i32
      %parallel_loop3A_206 = arith.constant 3 : i32
      %parallel_loop3A_207 = arith.index_cast %parallel_loop3A_206 : i32 to index
      %parallel_loop3A_208 = arith.index_cast %parallel_loop3A_205 : i32 to index
      %parallel_loop3A_209 = tpu.vector_load %arg16[%parallel_loop3A_207, %parallel_loop3A_208] {strides = array<i32>} : memref<4x1024xf32, #tpu.memory_space<vmem>>, vector<16xf32>,
      tpu.vector_store %arg16[%parallel_loop3A_207, %parallel_loop3A_208], %broadcast_in_dim3A_34 {strides = array<i32>} : memref<4x1024xf32, #tpu.memory_space<vmem>>, vector<16xf32>,
      %parallel_loop3A_210 = arith.constant 16 : i32
      %parallel_loop3A_211 = arith.muli %parallel_loop3A_113, %parallel_loop3A_210 : i32
      %parallel_loop3A_212 = arith.constant 0 : i32
      %parallel_loop3A_213 = arith.index_cast %parallel_loop3A_212 : i32 to index
      %parallel_loop3A_214 = arith.index_cast %parallel_loop3A_211 : i32 to index
      %parallel_loop3A_215 = tpu.vector_load %arg17[%parallel_loop3A_213, %parallel_loop3A_214] {strides = array<i32>} : memref<4x1024xf32, #tpu.memory_space<vmem>>, vector<16xf32>,
      tpu.vector_store %arg17[%parallel_loop3A_213, %parallel_loop3A_214], %broadcast_in_dim3A_34 {strides = array<i32>} : memref<4x1024xf32, #tpu.memory_space<vmem>>, vector<16xf32>,
      %parallel_loop3A_216 = arith.constant 16 : i32
      %parallel_loop3A_217 = arith.muli %parallel_loop3A_113, %parallel_loop3A_216 : i32
      %parallel_loop3A_218 = arith.constant 1 : i32
      %parallel_loop3A_219 = arith.index_cast %parallel_loop3A_218 : i32 to index
      %parallel_loop3A_220 = arith.index_cast %parallel_loop3A_217 : i32 to index
      %parallel_loop3A_221 = tpu.vector_load %arg17[%parallel_loop3A_219, %parallel_loop3A_220] {strides = array<i32>} : memref<4x1024xf32, #tpu.memory_space<vmem>>, vector<16xf32>,
      tpu.vector_store %arg17[%parallel_loop3A_219, %parallel_loop3A_220], %broadcast_in_dim3A_34 {strides = array<i32>} : memref<4x1024xf32, #tpu.memory_space<vmem>>, vector<16xf32>,
      %parallel_loop3A_222 = arith.constant 16 : i32
      %parallel_loop3A_223 = arith.muli %parallel_loop3A_113, %parallel_loop3A_222 : i32
      %parallel_loop3A_224 = arith.constant 2 : i32
      %parallel_loop3A_225 = arith.index_cast %parallel_loop3A_224 : i32 to index
      %parallel_loop3A_226 = arith.index_cast %parallel_loop3A_223 : i32 to index
      %parallel_loop3A_227 = tpu.vector_load %arg17[%parallel_loop3A_225, %parallel_loop3A_226] {strides = array<i32>} : memref<4x1024xf32, #tpu.memory_space<vmem>>, vector<16xf32>,
      tpu.vector_store %arg17[%parallel_loop3A_225, %parallel_loop3A_226], %broadcast_in_dim3A_34 {strides = array<i32>} : memref<4x1024xf32, #tpu.memory_space<vmem>>, vector<16xf32>,
      %parallel_loop3A_228 = arith.constant 16 : i32
      %parallel_loop3A_229 = arith.muli %parallel_loop3A_113, %parallel_loop3A_228 : i32
      %parallel_loop3A_230 = arith.constant 3 : i32
      %parallel_loop3A_231 = arith.index_cast %parallel_loop3A_230 : i32 to index
      %parallel_loop3A_232 = arith.index_cast %parallel_loop3A_229 : i32 to index
      %parallel_loop3A_233 = tpu.vector_load %arg17[%parallel_loop3A_231, %parallel_loop3A_232] {strides = array<i32>} : memref<4x1024xf32, #tpu.memory_space<vmem>>, vector<16xf32>,
      tpu.vector_store %arg17[%parallel_loop3A_231, %parallel_loop3A_232], %broadcast_in_dim3A_34 {strides = array<i32>} : memref<4x1024xf32, #tpu.memory_space<vmem>>, vector<16xf32>,
    } {sc.loop_unroll_factor = 2 : i64, sc.parallel_access}
    %dma_wait3A = arith.constant 0 : i32
    %dma_wait3A_76 = arith.constant 0 : i32
    %dma_wait3A_77 = tpu.memref_slice %arg5[%dma_wait3A, %dma_wait3A_76] : memref<1x1024xf32, #tpu.memory_space<hbm>> -> memref<1x1024xf32, #tpu.memory_space<hbm>>
    %dma_wait3A_78 = tpu.memref_squeeze %dma_wait3A_77 : memref<1x1024xf32, #tpu.memory_space<hbm>> -> memref<1024xf32, #tpu.memory_space<hbm>>
    %dma_wait3A_79 = arith.constant 0 : i32
    %dma_wait3A_80 = tpu.memref_slice %arg5[%dma_wait3A, %dma_wait3A_79] : memref<1x1024xf32, #tpu.memory_space<hbm>> -> memref<1x1024xf32, #tpu.memory_space<hbm>>
    %dma_wait3A_81 = tpu.memref_squeeze %dma_wait3A_80 : memref<1x1024xf32, #tpu.memory_space<hbm>> -> memref<1024xf32, #tpu.memory_space<hbm>>
    tpu.wait_dma2 semaphore(%arg19 : memref<!tpu.dma_semaphore, #tpu.memory_space<semaphore_mem>>) src(%dma_wait3A_81 : memref<1024xf32, #tpu.memory_space<hbm>>) dst(%arg7 : memref<1024xf32, #tpu.memory_space<vmem>>)
    %dma_wait3A_82 = arith.constant 0 : i32
    %dma_wait3A_83 = tpu.memref_slice %arg2[%dma_wait3A_82, %mul3A_2] : memref<2x65536xi32, #tpu.memory_space<hbm>> -> memref<1x2048xi32, #tpu.memory_space<hbm>>
    %dma_wait3A_84 = tpu.memref_squeeze %dma_wait3A_83 : memref<1x2048xi32, #tpu.memory_space<hbm>> -> memref<2048xi32, #tpu.memory_space<hbm>>
    %dma_wait3A_85 = tpu.memref_slice %arg2[%dma_wait3A_82, %mul3A_2] : memref<2x65536xi32, #tpu.memory_space<hbm>> -> memref<1x2048xi32, #tpu.memory_space<hbm>>
    %dma_wait3A_86 = tpu.memref_squeeze %dma_wait3A_85 : memref<1x2048xi32, #tpu.memory_space<hbm>> -> memref<2048xi32, #tpu.memory_space<hbm>>
    tpu.wait_dma2 semaphore(%arg19 : memref<!tpu.dma_semaphore, #tpu.memory_space<semaphore_mem>>) src(%dma_wait3A_86 : memref<2048xi32, #tpu.memory_space<hbm>>) dst(%arg8 : memref<2048xi32, #tpu.memory_space<vmem>>)
    %dma_wait3A_87 = arith.constant 1 : i32
    %dma_wait3A_88 = tpu.memref_slice %arg2[%dma_wait3A_87, %mul3A_2] : memref<2x65536xi32, #tpu.memory_space<hbm>> -> memref<1x2048xi32, #tpu.memory_space<hbm>>
    %dma_wait3A_89 = tpu.memref_squeeze %dma_wait3A_88 : memref<1x2048xi32, #tpu.memory_space<hbm>> -> memref<2048xi32, #tpu.memory_space<hbm>>
    %dma_wait3A_90 = tpu.memref_slice %arg2[%dma_wait3A_87, %mul3A_2] : memref<2x65536xi32, #tpu.memory_space<hbm>> -> memref<1x2048xi32, #tpu.memory_space<hbm>>
    %dma_wait3A_91 = tpu.memref_squeeze %dma_wait3A_90 : memref<1x2048xi32, #tpu.memory_space<hbm>> -> memref<2048xi32, #tpu.memory_space<hbm>>
    tpu.wait_dma2 semaphore(%arg19 : memref<!tpu.dma_semaphore, #tpu.memory_space<semaphore_mem>>) src(%dma_wait3A_91 : memref<2048xi32, #tpu.memory_space<hbm>>) dst(%arg9 : memref<2048xi32, #tpu.memory_space<vmem>>)
    %dma_wait3A_92 = arith.constant 0 : i32
    %dma_wait3A_93 = tpu.memref_slice %arg3[%dma_wait3A_92, %mul3A_2] : memref<2x65536xi32, #tpu.memory_space<hbm>> -> memref<1x2048xi32, #tpu.memory_space<hbm>>
    %dma_wait3A_94 = tpu.memref_squeeze %dma_wait3A_93 : memref<1x2048xi32, #tpu.memory_space<hbm>> -> memref<2048xi32, #tpu.memory_space<hbm>>
    %dma_wait3A_95 = tpu.memref_slice %arg3[%dma_wait3A_92, %mul3A_2] : memref<2x65536xi32, #tpu.memory_space<hbm>> -> memref<1x2048xi32, #tpu.memory_space<hbm>>
    %dma_wait3A_96 = tpu.memref_squeeze %dma_wait3A_95 : memref<1x2048xi32, #tpu.memory_space<hbm>> -> memref<2048xi32, #tpu.memory_space<hbm>>
    tpu.wait_dma2 semaphore(%arg19 : memref<!tpu.dma_semaphore, #tpu.memory_space<semaphore_mem>>) src(%dma_wait3A_96 : memref<2048xi32, #tpu.memory_space<hbm>>) dst(%arg10 : memref<2048xi32, #tpu.memory_space<vmem>>)
    %dma_wait3A_97 = arith.constant 1 : i32
    %dma_wait3A_98 = tpu.memref_slice %arg3[%dma_wait3A_97, %mul3A_2] : memref<2x65536xi32, #tpu.memory_space<hbm>> -> memref<1x2048xi32, #tpu.memory_space<hbm>>
    %dma_wait3A_99 = tpu.memref_squeeze %dma_wait3A_98 : memref<1x2048xi32, #tpu.memory_space<hbm>> -> memref<2048xi32, #tpu.memory_space<hbm>>
    %dma_wait3A_100 = tpu.memref_slice %arg3[%dma_wait3A_97, %mul3A_2] : memref<2x65536xi32, #tpu.memory_space<hbm>> -> memref<1x2048xi32, #tpu.memory_space<hbm>>
    %dma_wait3A_101 = tpu.memref_squeeze %dma_wait3A_100 : memref<1x2048xi32, #tpu.memory_space<hbm>> -> memref<2048xi32, #tpu.memory_space<hbm>>
    tpu.wait_dma2 semaphore(%arg19 : memref<!tpu.dma_semaphore, #tpu.memory_space<semaphore_mem>>) src(%dma_wait3A_101 : memref<2048xi32, #tpu.memory_space<hbm>>) dst(%arg11 : memref<2048xi32, #tpu.memory_space<vmem>>)
    %dma_wait3A_102 = arith.constant 0 : i32
    %dma_wait3A_103 = tpu.memref_slice %arg4[%dma_wait3A_102, %mul3A_2] : memref<2x65536xi32, #tpu.memory_space<hbm>> -> memref<1x2048xi32, #tpu.memory_space<hbm>>
    %dma_wait3A_104 = tpu.memref_squeeze %dma_wait3A_103 : memref<1x2048xi32, #tpu.memory_space<hbm>> -> memref<2048xi32, #tpu.memory_space<hbm>>
    %dma_wait3A_105 = tpu.memref_slice %arg4[%dma_wait3A_102, %mul3A_2] : memref<2x65536xi32, #tpu.memory_space<hbm>> -> memref<1x2048xi32, #tpu.memory_space<hbm>>
    %dma_wait3A_106 = tpu.memref_squeeze %dma_wait3A_105 : memref<1x2048xi32, #tpu.memory_space<hbm>> -> memref<2048xi32, #tpu.memory_space<hbm>>
    tpu.wait_dma2 semaphore(%arg19 : memref<!tpu.dma_semaphore, #tpu.memory_space<semaphore_mem>>) src(%dma_wait3A_106 : memref<2048xi32, #tpu.memory_space<hbm>>) dst(%arg12 : memref<2048xi32, #tpu.memory_space<vmem>>)
    %parallel_loop3A_107 = arith.constant 0 : i32
    %parallel_loop3A_108 = arith.constant 128 : i32
    %parallel_loop3A_109 = arith.constant 1 : i32
    scf.for %parallel_loop3A_113 = %parallel_loop3A_107 to %parallel_loop3A_108 step %parallel_loop3A_109  : i32 {
      %parallel_loop3A_114 = arith.constant 16 : i32
      %parallel_loop3A_115 = arith.muli %parallel_loop3A_113, %parallel_loop3A_114 : i32
      %parallel_loop3A_116 = arith.index_cast %parallel_loop3A_115 : i32 to index
      %parallel_loop3A_117 = tpu.vector_load %arg8[%parallel_loop3A_116] {strides = array<i32>} : memref<2048xi32, #tpu.memory_space<vmem>>, vector<16xi32>,
      %parallel_loop3A_118 = arith.index_cast %parallel_loop3A_115 : i32 to index
      %parallel_loop3A_119 = tpu.vector_load %arg9[%parallel_loop3A_118] {strides = array<i32>} : memref<2048xi32, #tpu.memory_space<vmem>>, vector<16xi32>,
      %parallel_loop3A_120 = tpu.vector_load_idx %arg7[%parallel_loop3A_117] : memref<1024xf32, #tpu.memory_space<vmem>>[vector<16xi32>], vector<16xf32>,
      %parallel_loop3A_121 = arith.index_cast %parallel_loop3A_115 : i32 to index
      %parallel_loop3A_122 = tpu.vector_load %arg10[%parallel_loop3A_121] {strides = array<i32>} : memref<2048xi32, #tpu.memory_space<vmem>>, vector<16xi32>,
      %parallel_loop3A_123 = arith.index_cast %parallel_loop3A_115 : i32 to index
      %parallel_loop3A_124 = tpu.vector_load %arg11[%parallel_loop3A_123] {strides = array<i32>} : memref<2048xi32, #tpu.memory_space<vmem>>, vector<16xi32>,
      %parallel_loop3A_125 = tpu.vector_load_idx %arg7[%parallel_loop3A_122] : memref<1024xf32, #tpu.memory_space<vmem>>[vector<16xi32>], vector<16xf32>,
      %parallel_loop3A_126 = arith.index_cast %parallel_loop3A_115 : i32 to index
      %parallel_loop3A_127 = tpu.vector_load %arg12[%parallel_loop3A_126] {strides = array<i32>} : memref<2048xi32, #tpu.memory_space<vmem>>, vector<16xi32>,
      tpu.vector_store_idx %arg13[%and3A_38, %parallel_loop3A_119], %parallel_loop3A_120 masked %eq3A_64 {add = true} : memref<4x1024xf32, #tpu.memory_space<vmem>>[vector<16xi32>, vector<16xi32>], vector<16xf32>, vector<16xi1>
      tpu.vector_store_idx %arg14[%and3A_38, %parallel_loop3A_119], %broadcast_in_dim3A_36 masked %eq3A_64 {add = true} : memref<4x1024xf32, #tpu.memory_space<vmem>>[vector<16xi32>, vector<16xi32>], vector<16xf32>, vector<16xi1>
      tpu.vector_store_idx %arg15[%and3A_38, %parallel_loop3A_124], %parallel_loop3A_125 masked %eq3A_64 {add = true} : memref<4x1024xf32, #tpu.memory_space<vmem>>[vector<16xi32>, vector<16xi32>], vector<16xf32>, vector<16xi1>
      tpu.vector_store_idx %arg16[%and3A_38, %parallel_loop3A_124], %broadcast_in_dim3A_36 masked %eq3A_64 {add = true} : memref<4x1024xf32, #tpu.memory_space<vmem>>[vector<16xi32>, vector<16xi32>], vector<16xf32>, vector<16xi1>
      tpu.vector_store_idx %arg17[%and3A_38, %parallel_loop3A_127], %broadcast_in_dim3A_36 masked %eq3A_64 {add = true} : memref<4x1024xf32, #tpu.memory_space<vmem>>[vector<16xi32>, vector<16xi32>], vector<16xf32>, vector<16xi1>
      tpu.vector_store_idx %arg13[%and3A_38, %parallel_loop3A_119], %parallel_loop3A_120 masked %eq3A_67 {add = true} : memref<4x1024xf32, #tpu.memory_space<vmem>>[vector<16xi32>, vector<16xi32>], vector<16xf32>, vector<16xi1>
      tpu.vector_store_idx %arg14[%and3A_38, %parallel_loop3A_119], %broadcast_in_dim3A_36 masked %eq3A_67 {add = true} : memref<4x1024xf32, #tpu.memory_space<vmem>>[vector<16xi32>, vector<16xi32>], vector<16xf32>, vector<16xi1>
      tpu.vector_store_idx %arg15[%and3A_38, %parallel_loop3A_124], %parallel_loop3A_125 masked %eq3A_67 {add = true} : memref<4x1024xf32, #tpu.memory_space<vmem>>[vector<16xi32>, vector<16xi32>], vector<16xf32>, vector<16xi1>
      tpu.vector_store_idx %arg16[%and3A_38, %parallel_loop3A_124], %broadcast_in_dim3A_36 masked %eq3A_67 {add = true} : memref<4x1024xf32, #tpu.memory_space<vmem>>[vector<16xi32>, vector<16xi32>], vector<16xf32>, vector<16xi1>
      tpu.vector_store_idx %arg17[%and3A_38, %parallel_loop3A_127], %broadcast_in_dim3A_36 masked %eq3A_67 {add = true} : memref<4x1024xf32, #tpu.memory_space<vmem>>[vector<16xi32>, vector<16xi32>], vector<16xf32>, vector<16xi1>
      tpu.vector_store_idx %arg13[%and3A_38, %parallel_loop3A_119], %parallel_loop3A_120 masked %eq3A_70 {add = true} : memref<4x1024xf32, #tpu.memory_space<vmem>>[vector<16xi32>, vector<16xi32>], vector<16xf32>, vector<16xi1>
      tpu.vector_store_idx %arg14[%and3A_38, %parallel_loop3A_119], %broadcast_in_dim3A_36 masked %eq3A_70 {add = true} : memref<4x1024xf32, #tpu.memory_space<vmem>>[vector<16xi32>, vector<16xi32>], vector<16xf32>, vector<16xi1>
      tpu.vector_store_idx %arg15[%and3A_38, %parallel_loop3A_124], %parallel_loop3A_125 masked %eq3A_70 {add = true} : memref<4x1024xf32, #tpu.memory_space<vmem>>[vector<16xi32>, vector<16xi32>], vector<16xf32>, vector<16xi1>
      tpu.vector_store_idx %arg16[%and3A_38, %parallel_loop3A_124], %broadcast_in_dim3A_36 masked %eq3A_70 {add = true} : memref<4x1024xf32, #tpu.memory_space<vmem>>[vector<16xi32>, vector<16xi32>], vector<16xf32>, vector<16xi1>
      tpu.vector_store_idx %arg17[%and3A_38, %parallel_loop3A_127], %broadcast_in_dim3A_36 masked %eq3A_70 {add = true} : memref<4x1024xf32, #tpu.memory_space<vmem>>[vector<16xi32>, vector<16xi32>], vector<16xf32>, vector<16xi1>
      tpu.vector_store_idx %arg13[%and3A_38, %parallel_loop3A_119], %parallel_loop3A_120 masked %eq3A_73 {add = true} : memref<4x1024xf32, #tpu.memory_space<vmem>>[vector<16xi32>, vector<16xi32>], vector<16xf32>, vector<16xi1>
      tpu.vector_store_idx %arg14[%and3A_38, %parallel_loop3A_119], %broadcast_in_dim3A_36 masked %eq3A_73 {add = true} : memref<4x1024xf32, #tpu.memory_space<vmem>>[vector<16xi32>, vector<16xi32>], vector<16xf32>, vector<16xi1>
      tpu.vector_store_idx %arg15[%and3A_38, %parallel_loop3A_124], %parallel_loop3A_125 masked %eq3A_73 {add = true} : memref<4x1024xf32, #tpu.memory_space<vmem>>[vector<16xi32>, vector<16xi32>], vector<16xf32>, vector<16xi1>
      tpu.vector_store_idx %arg16[%and3A_38, %parallel_loop3A_124], %broadcast_in_dim3A_36 masked %eq3A_73 {add = true} : memref<4x1024xf32, #tpu.memory_space<vmem>>[vector<16xi32>, vector<16xi32>], vector<16xf32>, vector<16xi1>
      tpu.vector_store_idx %arg17[%and3A_38, %parallel_loop3A_127], %broadcast_in_dim3A_36 masked %eq3A_73 {add = true} : memref<4x1024xf32, #tpu.memory_space<vmem>>[vector<16xi32>, vector<16xi32>], vector<16xf32>, vector<16xi1>
    } {sc.loop_unroll_factor = 2 : i64, sc.parallel_access}
    %parallel_loop3A_110 = arith.constant 0 : i32
    %parallel_loop3A_111 = arith.constant 64 : i32
    %parallel_loop3A_112 = arith.constant 1 : i32
    scf.for %parallel_loop3A_113 = %parallel_loop3A_110 to %parallel_loop3A_111 step %parallel_loop3A_112  : i32 {
      %parallel_loop3A_114 = arith.constant 16 : i32
      %parallel_loop3A_115 = arith.muli %parallel_loop3A_113, %parallel_loop3A_114 : i32
      %parallel_loop3A_116 = arith.constant 0 : i32
      %parallel_loop3A_117 = arith.index_cast %parallel_loop3A_116 : i32 to index
      %parallel_loop3A_118 = arith.index_cast %parallel_loop3A_115 : i32 to index
      %parallel_loop3A_119 = tpu.vector_load %arg13[%parallel_loop3A_117, %parallel_loop3A_118] {strides = array<i32>} : memref<4x1024xf32, #tpu.memory_space<vmem>>, vector<16xf32>,
      %parallel_loop3A_120 = arith.constant 16 : i32
      %parallel_loop3A_121 = arith.muli %parallel_loop3A_113, %parallel_loop3A_120 : i32
      %parallel_loop3A_122 = arith.constant 1 : i32
      %parallel_loop3A_123 = arith.index_cast %parallel_loop3A_122 : i32 to index
      %parallel_loop3A_124 = arith.index_cast %parallel_loop3A_121 : i32 to index
      %parallel_loop3A_125 = tpu.vector_load %arg13[%parallel_loop3A_123, %parallel_loop3A_124] {strides = array<i32>} : memref<4x1024xf32, #tpu.memory_space<vmem>>, vector<16xf32>,
      %parallel_loop3A_126 = arith.addf %parallel_loop3A_119, %parallel_loop3A_125 : vector<16xf32>
      %parallel_loop3A_127 = arith.constant 16 : i32
      %parallel_loop3A_128 = arith.muli %parallel_loop3A_113, %parallel_loop3A_127 : i32
      %parallel_loop3A_129 = arith.constant 2 : i32
      %parallel_loop3A_130 = arith.index_cast %parallel_loop3A_129 : i32 to index
      %parallel_loop3A_131 = arith.index_cast %parallel_loop3A_128 : i32 to index
      %parallel_loop3A_132 = tpu.vector_load %arg13[%parallel_loop3A_130, %parallel_loop3A_131] {strides = array<i32>} : memref<4x1024xf32, #tpu.memory_space<vmem>>, vector<16xf32>,
      %parallel_loop3A_133 = arith.addf %parallel_loop3A_126, %parallel_loop3A_132 : vector<16xf32>
      %parallel_loop3A_134 = arith.constant 16 : i32
      %parallel_loop3A_135 = arith.muli %parallel_loop3A_113, %parallel_loop3A_134 : i32
      %parallel_loop3A_136 = arith.constant 3 : i32
      %parallel_loop3A_137 = arith.index_cast %parallel_loop3A_136 : i32 to index
      %parallel_loop3A_138 = arith.index_cast %parallel_loop3A_135 : i32 to index
      %parallel_loop3A_139 = tpu.vector_load %arg13[%parallel_loop3A_137, %parallel_loop3A_138] {strides = array<i32>} : memref<4x1024xf32, #tpu.memory_space<vmem>>, vector<16xf32>,
      %parallel_loop3A_140 = arith.addf %parallel_loop3A_133, %parallel_loop3A_139 : vector<16xf32>
      %parallel_loop3A_141 = arith.constant 16 : i32
      %parallel_loop3A_142 = arith.muli %parallel_loop3A_113, %parallel_loop3A_141 : i32
      %parallel_loop3A_143 = arith.constant 0 : i32
      %parallel_loop3A_144 = arith.index_cast %parallel_loop3A_143 : i32 to index
      %parallel_loop3A_145 = arith.index_cast %parallel_loop3A_142 : i32 to index
      %parallel_loop3A_146 = tpu.vector_load %arg18[%parallel_loop3A_144, %parallel_loop3A_145] {strides = array<i32>} : memref<5x1024xf32, #tpu.memory_space<vmem>>, vector<16xf32>,
      tpu.vector_store %arg18[%parallel_loop3A_144, %parallel_loop3A_145], %parallel_loop3A_140 {strides = array<i32>} : memref<5x1024xf32, #tpu.memory_space<vmem>>, vector<16xf32>,
      %parallel_loop3A_147 = arith.constant 16 : i32
      %parallel_loop3A_148 = arith.muli %parallel_loop3A_113, %parallel_loop3A_147 : i32
      %parallel_loop3A_149 = arith.constant 0 : i32
      %parallel_loop3A_150 = arith.index_cast %parallel_loop3A_149 : i32 to index
      %parallel_loop3A_151 = arith.index_cast %parallel_loop3A_148 : i32 to index
      %parallel_loop3A_152 = tpu.vector_load %arg14[%parallel_loop3A_150, %parallel_loop3A_151] {strides = array<i32>} : memref<4x1024xf32, #tpu.memory_space<vmem>>, vector<16xf32>,
      %parallel_loop3A_153 = arith.constant 16 : i32
      %parallel_loop3A_154 = arith.muli %parallel_loop3A_113, %parallel_loop3A_153 : i32
      %parallel_loop3A_155 = arith.constant 1 : i32
      %parallel_loop3A_156 = arith.index_cast %parallel_loop3A_155 : i32 to index
      %parallel_loop3A_157 = arith.index_cast %parallel_loop3A_154 : i32 to index
      %parallel_loop3A_158 = tpu.vector_load %arg14[%parallel_loop3A_156, %parallel_loop3A_157] {strides = array<i32>} : memref<4x1024xf32, #tpu.memory_space<vmem>>, vector<16xf32>,
      %parallel_loop3A_159 = arith.addf %parallel_loop3A_152, %parallel_loop3A_158 : vector<16xf32>
      %parallel_loop3A_160 = arith.constant 16 : i32
      %parallel_loop3A_161 = arith.muli %parallel_loop3A_113, %parallel_loop3A_160 : i32
      %parallel_loop3A_162 = arith.constant 2 : i32
      %parallel_loop3A_163 = arith.index_cast %parallel_loop3A_162 : i32 to index
      %parallel_loop3A_164 = arith.index_cast %parallel_loop3A_161 : i32 to index
      %parallel_loop3A_165 = tpu.vector_load %arg14[%parallel_loop3A_163, %parallel_loop3A_164] {strides = array<i32>} : memref<4x1024xf32, #tpu.memory_space<vmem>>, vector<16xf32>,
      %parallel_loop3A_166 = arith.addf %parallel_loop3A_159, %parallel_loop3A_165 : vector<16xf32>
      %parallel_loop3A_167 = arith.constant 16 : i32
      %parallel_loop3A_168 = arith.muli %parallel_loop3A_113, %parallel_loop3A_167 : i32
      %parallel_loop3A_169 = arith.constant 3 : i32
      %parallel_loop3A_170 = arith.index_cast %parallel_loop3A_169 : i32 to index
      %parallel_loop3A_171 = arith.index_cast %parallel_loop3A_168 : i32 to index
      %parallel_loop3A_172 = tpu.vector_load %arg14[%parallel_loop3A_170, %parallel_loop3A_171] {strides = array<i32>} : memref<4x1024xf32, #tpu.memory_space<vmem>>, vector<16xf32>,
      %parallel_loop3A_173 = arith.addf %parallel_loop3A_166, %parallel_loop3A_172 : vector<16xf32>
      %parallel_loop3A_174 = arith.constant 16 : i32
      %parallel_loop3A_175 = arith.muli %parallel_loop3A_113, %parallel_loop3A_174 : i32
      %parallel_loop3A_176 = arith.constant 1 : i32
      %parallel_loop3A_177 = arith.index_cast %parallel_loop3A_176 : i32 to index
      %parallel_loop3A_178 = arith.index_cast %parallel_loop3A_175 : i32 to index
      %parallel_loop3A_179 = tpu.vector_load %arg18[%parallel_loop3A_177, %parallel_loop3A_178] {strides = array<i32>} : memref<5x1024xf32, #tpu.memory_space<vmem>>, vector<16xf32>,
      tpu.vector_store %arg18[%parallel_loop3A_177, %parallel_loop3A_178], %parallel_loop3A_173 {strides = array<i32>} : memref<5x1024xf32, #tpu.memory_space<vmem>>, vector<16xf32>,
      %parallel_loop3A_180 = arith.constant 16 : i32
      %parallel_loop3A_181 = arith.muli %parallel_loop3A_113, %parallel_loop3A_180 : i32
      %parallel_loop3A_182 = arith.constant 0 : i32
      %parallel_loop3A_183 = arith.index_cast %parallel_loop3A_182 : i32 to index
      %parallel_loop3A_184 = arith.index_cast %parallel_loop3A_181 : i32 to index
      %parallel_loop3A_185 = tpu.vector_load %arg15[%parallel_loop3A_183, %parallel_loop3A_184] {strides = array<i32>} : memref<4x1024xf32, #tpu.memory_space<vmem>>, vector<16xf32>,
      %parallel_loop3A_186 = arith.constant 16 : i32
      %parallel_loop3A_187 = arith.muli %parallel_loop3A_113, %parallel_loop3A_186 : i32
      %parallel_loop3A_188 = arith.constant 1 : i32
      %parallel_loop3A_189 = arith.index_cast %parallel_loop3A_188 : i32 to index
      %parallel_loop3A_190 = arith.index_cast %parallel_loop3A_187 : i32 to index
      %parallel_loop3A_191 = tpu.vector_load %arg15[%parallel_loop3A_189, %parallel_loop3A_190] {strides = array<i32>} : memref<4x1024xf32, #tpu.memory_space<vmem>>, vector<16xf32>,
      %parallel_loop3A_192 = arith.addf %parallel_loop3A_185, %parallel_loop3A_191 : vector<16xf32>
      %parallel_loop3A_193 = arith.constant 16 : i32
      %parallel_loop3A_194 = arith.muli %parallel_loop3A_113, %parallel_loop3A_193 : i32
      %parallel_loop3A_195 = arith.constant 2 : i32
      %parallel_loop3A_196 = arith.index_cast %parallel_loop3A_195 : i32 to index
      %parallel_loop3A_197 = arith.index_cast %parallel_loop3A_194 : i32 to index
      %parallel_loop3A_198 = tpu.vector_load %arg15[%parallel_loop3A_196, %parallel_loop3A_197] {strides = array<i32>} : memref<4x1024xf32, #tpu.memory_space<vmem>>, vector<16xf32>,
      %parallel_loop3A_199 = arith.addf %parallel_loop3A_192, %parallel_loop3A_198 : vector<16xf32>
      %parallel_loop3A_200 = arith.constant 16 : i32
      %parallel_loop3A_201 = arith.muli %parallel_loop3A_113, %parallel_loop3A_200 : i32
      %parallel_loop3A_202 = arith.constant 3 : i32
      %parallel_loop3A_203 = arith.index_cast %parallel_loop3A_202 : i32 to index
      %parallel_loop3A_204 = arith.index_cast %parallel_loop3A_201 : i32 to index
      %parallel_loop3A_205 = tpu.vector_load %arg15[%parallel_loop3A_203, %parallel_loop3A_204] {strides = array<i32>} : memref<4x1024xf32, #tpu.memory_space<vmem>>, vector<16xf32>,
      %parallel_loop3A_206 = arith.addf %parallel_loop3A_199, %parallel_loop3A_205 : vector<16xf32>
      %parallel_loop3A_207 = arith.constant 16 : i32
      %parallel_loop3A_208 = arith.muli %parallel_loop3A_113, %parallel_loop3A_207 : i32
      %parallel_loop3A_209 = arith.constant 2 : i32
      %parallel_loop3A_210 = arith.index_cast %parallel_loop3A_209 : i32 to index
      %parallel_loop3A_211 = arith.index_cast %parallel_loop3A_208 : i32 to index
      %parallel_loop3A_212 = tpu.vector_load %arg18[%parallel_loop3A_210, %parallel_loop3A_211] {strides = array<i32>} : memref<5x1024xf32, #tpu.memory_space<vmem>>, vector<16xf32>,
      tpu.vector_store %arg18[%parallel_loop3A_210, %parallel_loop3A_211], %parallel_loop3A_206 {strides = array<i32>} : memref<5x1024xf32, #tpu.memory_space<vmem>>, vector<16xf32>,
      %parallel_loop3A_213 = arith.constant 16 : i32
      %parallel_loop3A_214 = arith.muli %parallel_loop3A_113, %parallel_loop3A_213 : i32
      %parallel_loop3A_215 = arith.constant 0 : i32
      %parallel_loop3A_216 = arith.index_cast %parallel_loop3A_215 : i32 to index
      %parallel_loop3A_217 = arith.index_cast %parallel_loop3A_214 : i32 to index
      %parallel_loop3A_218 = tpu.vector_load %arg16[%parallel_loop3A_216, %parallel_loop3A_217] {strides = array<i32>} : memref<4x1024xf32, #tpu.memory_space<vmem>>, vector<16xf32>,
      %parallel_loop3A_219 = arith.constant 16 : i32
      %parallel_loop3A_220 = arith.muli %parallel_loop3A_113, %parallel_loop3A_219 : i32
      %parallel_loop3A_221 = arith.constant 1 : i32
      %parallel_loop3A_222 = arith.index_cast %parallel_loop3A_221 : i32 to index
      %parallel_loop3A_223 = arith.index_cast %parallel_loop3A_220 : i32 to index
      %parallel_loop3A_224 = tpu.vector_load %arg16[%parallel_loop3A_222, %parallel_loop3A_223] {strides = array<i32>} : memref<4x1024xf32, #tpu.memory_space<vmem>>, vector<16xf32>,
      %parallel_loop3A_225 = arith.addf %parallel_loop3A_218, %parallel_loop3A_224 : vector<16xf32>
      %parallel_loop3A_226 = arith.constant 16 : i32
      %parallel_loop3A_227 = arith.muli %parallel_loop3A_113, %parallel_loop3A_226 : i32
      %parallel_loop3A_228 = arith.constant 2 : i32
      %parallel_loop3A_229 = arith.index_cast %parallel_loop3A_228 : i32 to index
      %parallel_loop3A_230 = arith.index_cast %parallel_loop3A_227 : i32 to index
      %parallel_loop3A_231 = tpu.vector_load %arg16[%parallel_loop3A_229, %parallel_loop3A_230] {strides = array<i32>} : memref<4x1024xf32, #tpu.memory_space<vmem>>, vector<16xf32>,
      %parallel_loop3A_232 = arith.addf %parallel_loop3A_225, %parallel_loop3A_231 : vector<16xf32>
      %parallel_loop3A_233 = arith.constant 16 : i32
      %parallel_loop3A_234 = arith.muli %parallel_loop3A_113, %parallel_loop3A_233 : i32
      %parallel_loop3A_235 = arith.constant 3 : i32
      %parallel_loop3A_236 = arith.index_cast %parallel_loop3A_235 : i32 to index
      %parallel_loop3A_237 = arith.index_cast %parallel_loop3A_234 : i32 to index
      %parallel_loop3A_238 = tpu.vector_load %arg16[%parallel_loop3A_236, %parallel_loop3A_237] {strides = array<i32>} : memref<4x1024xf32, #tpu.memory_space<vmem>>, vector<16xf32>,
      %parallel_loop3A_239 = arith.addf %parallel_loop3A_232, %parallel_loop3A_238 : vector<16xf32>
      %parallel_loop3A_240 = arith.constant 16 : i32
      %parallel_loop3A_241 = arith.muli %parallel_loop3A_113, %parallel_loop3A_240 : i32
      %parallel_loop3A_242 = arith.constant 3 : i32
      %parallel_loop3A_243 = arith.index_cast %parallel_loop3A_242 : i32 to index
      %parallel_loop3A_244 = arith.index_cast %parallel_loop3A_241 : i32 to index
      %parallel_loop3A_245 = tpu.vector_load %arg18[%parallel_loop3A_243, %parallel_loop3A_244] {strides = array<i32>} : memref<5x1024xf32, #tpu.memory_space<vmem>>, vector<16xf32>,
      tpu.vector_store %arg18[%parallel_loop3A_243, %parallel_loop3A_244], %parallel_loop3A_239 {strides = array<i32>} : memref<5x1024xf32, #tpu.memory_space<vmem>>, vector<16xf32>,
      %parallel_loop3A_246 = arith.constant 16 : i32
      %parallel_loop3A_247 = arith.muli %parallel_loop3A_113, %parallel_loop3A_246 : i32
      %parallel_loop3A_248 = arith.constant 0 : i32
      %parallel_loop3A_249 = arith.index_cast %parallel_loop3A_248 : i32 to index
      %parallel_loop3A_250 = arith.index_cast %parallel_loop3A_247 : i32 to index
      %parallel_loop3A_251 = tpu.vector_load %arg17[%parallel_loop3A_249, %parallel_loop3A_250] {strides = array<i32>} : memref<4x1024xf32, #tpu.memory_space<vmem>>, vector<16xf32>,
      %parallel_loop3A_252 = arith.constant 16 : i32
      %parallel_loop3A_253 = arith.muli %parallel_loop3A_113, %parallel_loop3A_252 : i32
      %parallel_loop3A_254 = arith.constant 1 : i32
      %parallel_loop3A_255 = arith.index_cast %parallel_loop3A_254 : i32 to index
      %parallel_loop3A_256 = arith.index_cast %parallel_loop3A_253 : i32 to index
      %parallel_loop3A_257 = tpu.vector_load %arg17[%parallel_loop3A_255, %parallel_loop3A_256] {strides = array<i32>} : memref<4x1024xf32, #tpu.memory_space<vmem>>, vector<16xf32>,
      %parallel_loop3A_258 = arith.addf %parallel_loop3A_251, %parallel_loop3A_257 : vector<16xf32>
      %parallel_loop3A_259 = arith.constant 16 : i32
      %parallel_loop3A_260 = arith.muli %parallel_loop3A_113, %parallel_loop3A_259 : i32
      %parallel_loop3A_261 = arith.constant 2 : i32
      %parallel_loop3A_262 = arith.index_cast %parallel_loop3A_261 : i32 to index
      %parallel_loop3A_263 = arith.index_cast %parallel_loop3A_260 : i32 to index
      %parallel_loop3A_264 = tpu.vector_load %arg17[%parallel_loop3A_262, %parallel_loop3A_263] {strides = array<i32>} : memref<4x1024xf32, #tpu.memory_space<vmem>>, vector<16xf32>,
      %parallel_loop3A_265 = arith.addf %parallel_loop3A_258, %parallel_loop3A_264 : vector<16xf32>
      %parallel_loop3A_266 = arith.constant 16 : i32
      %parallel_loop3A_267 = arith.muli %parallel_loop3A_113, %parallel_loop3A_266 : i32
      %parallel_loop3A_268 = arith.constant 3 : i32
      %parallel_loop3A_269 = arith.index_cast %parallel_loop3A_268 : i32 to index
      %parallel_loop3A_270 = arith.index_cast %parallel_loop3A_267 : i32 to index
      %parallel_loop3A_271 = tpu.vector_load %arg17[%parallel_loop3A_269, %parallel_loop3A_270] {strides = array<i32>} : memref<4x1024xf32, #tpu.memory_space<vmem>>, vector<16xf32>,
      %parallel_loop3A_272 = arith.addf %parallel_loop3A_265, %parallel_loop3A_271 : vector<16xf32>
      %parallel_loop3A_273 = arith.constant 16 : i32
      %parallel_loop3A_274 = arith.muli %parallel_loop3A_113, %parallel_loop3A_273 : i32
      %parallel_loop3A_275 = arith.constant 4 : i32
      %parallel_loop3A_276 = arith.index_cast %parallel_loop3A_275 : i32 to index
      %parallel_loop3A_277 = arith.index_cast %parallel_loop3A_274 : i32 to index
      %parallel_loop3A_278 = tpu.vector_load %arg18[%parallel_loop3A_276, %parallel_loop3A_277] {strides = array<i32>} : memref<5x1024xf32, #tpu.memory_space<vmem>>, vector<16xf32>,
      tpu.vector_store %arg18[%parallel_loop3A_276, %parallel_loop3A_277], %parallel_loop3A_272 {strides = array<i32>} : memref<5x1024xf32, #tpu.memory_space<vmem>>, vector<16xf32>,
    } {sc.loop_unroll_factor = 2 : i64, sc.parallel_access}
    "tpu.region"() ({
      %run_scoped3A = tpu.sem_alloc : memref<!tpu.dma_semaphore, #tpu.memory_space<semaphore_mem>>
      %dma_start3A_113 = arith.constant 0 : i32
      %dma_start3A_114 = arith.constant 0 : i32
      %dma_start3A_115 = tpu.memref_slice %arg6[%add3A, %dma_start3A_113, %dma_start3A_114] : memref<32x5x1024xf32, #tpu.memory_space<hbm>> -> memref<1x5x1024xf32, #tpu.memory_space<hbm>>
      %dma_start3A_116 = tpu.memref_squeeze %dma_start3A_115 : memref<1x5x1024xf32, #tpu.memory_space<hbm>> -> memref<5x1024xf32, #tpu.memory_space<hbm>>
      %dma_start3A_117 = arith.constant 0 : i32
      %dma_start3A_118 = arith.constant 0 : i32
      %dma_start3A_119 = tpu.memref_slice %arg6[%add3A, %dma_start3A_117, %dma_start3A_118] : memref<32x5x1024xf32, #tpu.memory_space<hbm>> -> memref<1x5x1024xf32, #tpu.memory_space<hbm>>
      %dma_start3A_120 = tpu.memref_squeeze %dma_start3A_119 : memref<1x5x1024xf32, #tpu.memory_space<hbm>> -> memref<5x1024xf32, #tpu.memory_space<hbm>>
      tpu.enqueue_dma source(%arg18 : memref<5x1024xf32, #tpu.memory_space<vmem>>) target(%dma_start3A_120 : memref<5x1024xf32, #tpu.memory_space<hbm>>) target_semaphore(%run_scoped3A : memref<!tpu.dma_semaphore, #tpu.memory_space<semaphore_mem>>)
      %dma_wait3A_121 = arith.constant 0 : i32
      %dma_wait3A_122 = arith.constant 0 : i32
      %dma_wait3A_123 = tpu.memref_slice %arg6[%add3A, %dma_wait3A_121, %dma_wait3A_122] : memref<32x5x1024xf32, #tpu.memory_space<hbm>> -> memref<1x5x1024xf32, #tpu.memory_space<hbm>>
      %dma_wait3A_124 = tpu.memref_squeeze %dma_wait3A_123 : memref<1x5x1024xf32, #tpu.memory_space<hbm>> -> memref<5x1024xf32, #tpu.memory_space<hbm>>
      %dma_wait3A_125 = arith.constant 0 : i32
      %dma_wait3A_126 = arith.constant 0 : i32
      %dma_wait3A_127 = tpu.memref_slice %arg6[%add3A, %dma_wait3A_125, %dma_wait3A_126] : memref<32x5x1024xf32, #tpu.memory_space<hbm>> -> memref<1x5x1024xf32, #tpu.memory_space<hbm>>
      %dma_wait3A_128 = tpu.memref_squeeze %dma_wait3A_127 : memref<1x5x1024xf32, #tpu.memory_space<hbm>> -> memref<5x1024xf32, #tpu.memory_space<hbm>>
      tpu.wait_dma2 semaphore(%run_scoped3A : memref<!tpu.dma_semaphore, #tpu.memory_space<semaphore_mem>>) src(%arg18 : memref<5x1024xf32, #tpu.memory_space<vmem>>) dst(%dma_wait3A_128 : memref<5x1024xf32, #tpu.memory_space<hbm>>)
      tpu.yield
    }) : () -> ()
    return
  }
}

module attributes {stable_mosaic.version = 14 : i64} {
  func.func @_dense_body(%arg0: memref<32x5x1024xf32, #tpu.memory_space<vmem>>, %arg1: memref<1x1024xf32, #tpu.memory_space<vmem>>, %arg2: memref<1x512xf32, #tpu.memory_space<vmem>>, %arg3: memref<1024x1xf32, #tpu.memory_space<vmem>>, %arg4: memref<1x1024xf32, #tpu.memory_space<vmem>>, %arg5: memref<1024x1xf32, #tpu.memory_space<vmem>>, %arg6: memref<1024x1xf32, #tpu.memory_space<vmem>>, %arg7: memref<1x1024xf32, #tpu.memory_space<vmem>>, %arg8: memref<1024x1024xf32, #tpu.memory_space<vmem>>, %arg9: memref<1024x1024xf32, #tpu.memory_space<vmem>>, %arg10: memref<1x1024xf32, #tpu.memory_space<vmem>>, %arg11: memref<1024x512xf32, #tpu.memory_space<vmem>>, %arg12: memref<256x1024xf32, #tpu.memory_space<vmem>>, %arg13: memref<1x256xf32, #tpu.memory_space<vmem>>, %arg14: memref<1x256xf32, #tpu.memory_space<vmem>>) attributes {dimension_semantics = [], scalar_prefetch = 0 : i64, scratch_operands = 0 : i64, tpu.core_type = #tpu.core_type<tc>} {
    %get3A = arith.constant 0 : index
    %get3A_0 = arith.constant 0 : index
    %get3A_1 = arith.constant 0 : index
    %get3A_2 = vector.load %arg0[%get3A, %get3A_0, %get3A_1] : memref<32x5x1024xf32, #tpu.memory_space<vmem>>, vector<32x1x1024xf32>
    %get3A_3 = vector.shape_cast %get3A_2 : vector<32x1x1024xf32> to vector<32x1024xf32>
    %reduce_sum3A = arith.constant dense<0.000000e+00> : vector<1024xf32>
    %reduce_sum3A_4 = vector.multi_reduction <add>, %get3A_3, %reduce_sum3A [0] : vector<32x1024xf32> to vector<1024xf32>
    %broadcast_in_dim3A = vector.shape_cast %reduce_sum3A_4 : vector<1024xf32> to vector<1x1024xf32>
    %get3A_5 = arith.constant 0 : index
    %get3A_6 = arith.constant 1 : index
    %get3A_7 = arith.constant 0 : index
    %get3A_8 = vector.load %arg0[%get3A_5, %get3A_6, %get3A_7] : memref<32x5x1024xf32, #tpu.memory_space<vmem>>, vector<32x1x1024xf32>
    %get3A_9 = vector.shape_cast %get3A_8 : vector<32x1x1024xf32> to vector<32x1024xf32>
    %reduce_sum3A_10 = arith.constant dense<0.000000e+00> : vector<1024xf32>
    %reduce_sum3A_11 = vector.multi_reduction <add>, %get3A_9, %reduce_sum3A_10 [0] : vector<32x1024xf32> to vector<1024xf32>
    %broadcast_in_dim3A_12 = vector.shape_cast %reduce_sum3A_11 : vector<1024xf32> to vector<1x1024xf32>
    %get3A_13 = arith.constant 0 : index
    %get3A_14 = arith.constant 2 : index
    %get3A_15 = arith.constant 0 : index
    %get3A_16 = vector.load %arg0[%get3A_13, %get3A_14, %get3A_15] : memref<32x5x1024xf32, #tpu.memory_space<vmem>>, vector<32x1x1024xf32>
    %get3A_17 = vector.shape_cast %get3A_16 : vector<32x1x1024xf32> to vector<32x1024xf32>
    %reduce_sum3A_18 = arith.constant dense<0.000000e+00> : vector<1024xf32>
    %reduce_sum3A_19 = vector.multi_reduction <add>, %get3A_17, %reduce_sum3A_18 [0] : vector<32x1024xf32> to vector<1024xf32>
    %broadcast_in_dim3A_20 = vector.shape_cast %reduce_sum3A_19 : vector<1024xf32> to vector<1x1024xf32>
    %get3A_21 = arith.constant 0 : index
    %get3A_22 = arith.constant 3 : index
    %get3A_23 = arith.constant 0 : index
    %get3A_24 = vector.load %arg0[%get3A_21, %get3A_22, %get3A_23] : memref<32x5x1024xf32, #tpu.memory_space<vmem>>, vector<32x1x1024xf32>
    %get3A_25 = vector.shape_cast %get3A_24 : vector<32x1x1024xf32> to vector<32x1024xf32>
    %reduce_sum3A_26 = arith.constant dense<0.000000e+00> : vector<1024xf32>
    %reduce_sum3A_27 = vector.multi_reduction <add>, %get3A_25, %reduce_sum3A_26 [0] : vector<32x1024xf32> to vector<1024xf32>
    %broadcast_in_dim3A_28 = vector.shape_cast %reduce_sum3A_27 : vector<1024xf32> to vector<1x1024xf32>
    %get3A_29 = arith.constant 0 : index
    %get3A_30 = arith.constant 4 : index
    %get3A_31 = arith.constant 0 : index
    %get3A_32 = vector.load %arg0[%get3A_29, %get3A_30, %get3A_31] : memref<32x5x1024xf32, #tpu.memory_space<vmem>>, vector<32x1x1024xf32>
    %get3A_33 = vector.shape_cast %get3A_32 : vector<32x1x1024xf32> to vector<32x1024xf32>
    %reduce_sum3A_34 = arith.constant dense<0.000000e+00> : vector<1024xf32>
    %reduce_sum3A_35 = vector.multi_reduction <add>, %get3A_33, %reduce_sum3A_34 [0] : vector<32x1024xf32> to vector<1024xf32>
    %broadcast_in_dim3A_36 = vector.shape_cast %reduce_sum3A_35 : vector<1024xf32> to vector<1x1024xf32>
    %max3A = arith.constant 1.000000e+00 : f32
    %max3A_37 = vector.broadcast %max3A : f32 to vector<1x1024xf32>
    %max3A_38 = arith.maximumf %broadcast_in_dim3A_12, %max3A_37 : vector<1x1024xf32>
    %div3A = arith.divf %broadcast_in_dim3A, %max3A_38 : vector<1x1024xf32>
    %max3A_39 = arith.constant 1.000000e+00 : f32
    %max3A_40 = vector.broadcast %max3A_39 : f32 to vector<1x1024xf32>
    %max3A_41 = arith.maximumf %broadcast_in_dim3A_28, %max3A_40 : vector<1x1024xf32>
    %div3A_42 = arith.divf %broadcast_in_dim3A_20, %max3A_41 : vector<1x1024xf32>
    %get3A_43 = arith.constant 0 : index
    %get3A_44 = arith.constant 0 : index
    %get3A_45 = vector.load %arg3[%get3A_43, %get3A_44] : memref<1024x1xf32, #tpu.memory_space<vmem>>, vector<1024x1xf32>
    %dot_general3A = arith.constant dense<0.000000e+00> : vector<1024x1024xf32>
    %dot_general3A_46 = tpu.matmul %div3A, %get3A_45, %dot_general3A {dimension_numbers = #tpu.dot_dimension_numbers<[0], [1], [1], [0], [0, 1, 1, 0], [], []>, transpose_lhs_hint = false} : vector<1x1024xf32>, vector<1024x1xf32>, vector<1024x1024xf32> -> vector<1024x1024xf32>
    %get3A_47 = arith.constant 0 : index
    %get3A_48 = arith.constant 0 : index
    %get3A_49 = vector.load %arg4[%get3A_47, %get3A_48] : memref<1x1024xf32, #tpu.memory_space<vmem>>, vector<1x1024xf32>
    %add3A = vector.broadcast %get3A_49 : vector<1x1024xf32> to vector<1024x1024xf32>
    %add3A_50 = arith.addf %dot_general3A_46, %add3A : vector<1024x1024xf32>
    %get3A_51 = arith.constant 0 : index
    %get3A_52 = arith.constant 0 : index
    %get3A_53 = vector.load %arg1[%get3A_51, %get3A_52] : memref<1x1024xf32, #tpu.memory_space<vmem>>, vector<1x1024xf32>
    %get3A_54 = arith.constant 0 : index
    %get3A_55 = arith.constant 0 : index
    %get3A_56 = vector.load %arg5[%get3A_54, %get3A_55] : memref<1024x1xf32, #tpu.memory_space<vmem>>, vector<1024x1xf32>
    %dot_general3A_57 = arith.constant dense<0.000000e+00> : vector<1024x1024xf32>
    %dot_general3A_58 = tpu.matmul %get3A_53, %get3A_56, %dot_general3A_57 {dimension_numbers = #tpu.dot_dimension_numbers<[0], [1], [1], [0], [0, 1, 1, 0], [], []>, transpose_lhs_hint = false} : vector<1x1024xf32>, vector<1024x1xf32>, vector<1024x1024xf32> -> vector<1024x1024xf32>
    %add3A_59 = arith.addf %add3A_50, %dot_general3A_58 : vector<1024x1024xf32>
    %max3A_60 = arith.constant 0.000000e+00 : f32
    %max3A_61 = vector.broadcast %max3A_60 : f32 to vector<1024x1024xf32>
    %max3A_62 = arith.maximumf %add3A_59, %max3A_61 : vector<1024x1024xf32>
    %get3A_63 = arith.constant 0 : index
    %get3A_64 = arith.constant 0 : index
    %get3A_65 = vector.load %arg6[%get3A_63, %get3A_64] : memref<1024x1xf32, #tpu.memory_space<vmem>>, vector<1024x1xf32>
    %dot_general3A_66 = arith.constant dense<0.000000e+00> : vector<1024x1024xf32>
    %dot_general3A_67 = tpu.matmul %div3A_42, %get3A_65, %dot_general3A_66 {dimension_numbers = #tpu.dot_dimension_numbers<[0], [1], [1], [0], [0, 1, 1, 0], [], []>, transpose_lhs_hint = false} : vector<1x1024xf32>, vector<1024x1xf32>, vector<1024x1024xf32> -> vector<1024x1024xf32>
    %get3A_68 = arith.constant 0 : index
    %get3A_69 = arith.constant 0 : index
    %get3A_70 = vector.load %arg7[%get3A_68, %get3A_69] : memref<1x1024xf32, #tpu.memory_space<vmem>>, vector<1x1024xf32>
    %add3A_71 = vector.broadcast %get3A_70 : vector<1x1024xf32> to vector<1024x1024xf32>
    %add3A_72 = arith.addf %dot_general3A_67, %add3A_71 : vector<1024x1024xf32>
    %get3A_73 = arith.constant 0 : index
    %get3A_74 = arith.constant 0 : index
    %get3A_75 = vector.load %arg8[%get3A_73, %get3A_74] : memref<1024x1024xf32, #tpu.memory_space<vmem>>, vector<1024x1024xf32>
    %dot_general3A_76 = arith.constant dense<0.000000e+00> : vector<1024x1024xf32>
    %dot_general3A_77 = tpu.matmul %max3A_62, %get3A_75, %dot_general3A_76 {dimension_numbers = #tpu.dot_dimension_numbers<[1], [1], [0], [0], [0, 0, 1, 0], [], []>, transpose_lhs_hint = false} : vector<1024x1024xf32>, vector<1024x1024xf32>, vector<1024x1024xf32> -> vector<1024x1024xf32>
    %add3A_78 = arith.addf %add3A_72, %dot_general3A_77 : vector<1024x1024xf32>
    %max3A_79 = arith.constant 0.000000e+00 : f32
    %max3A_80 = vector.broadcast %max3A_79 : f32 to vector<1024x1024xf32>
    %max3A_81 = arith.maximumf %add3A_78, %max3A_80 : vector<1024x1024xf32>
    %dot_general3A_82 = arith.constant dense<0.000000e+00> : vector<1x1024xf32>
    %dot_general3A_83 = tpu.matmul %broadcast_in_dim3A_36, %max3A_81, %dot_general3A_82 {dimension_numbers = #tpu.dot_dimension_numbers<[1], [0], [0], [1], [0, 0, 1, 1], [], []>, transpose_lhs_hint = false} : vector<1x1024xf32>, vector<1024x1024xf32>, vector<1x1024xf32> -> vector<1x1024xf32>
    %mul3A = arith.constant 1.52587891E-5 : f32
    %mul3A_84 = vector.broadcast %mul3A : f32 to vector<1x1024xf32>
    %mul3A_85 = arith.mulf %dot_general3A_83, %mul3A_84 : vector<1x1024xf32>
    %get3A_86 = arith.constant 0 : index
    %get3A_87 = arith.constant 0 : index
    %get3A_88 = vector.load %arg9[%get3A_86, %get3A_87] : memref<1024x1024xf32, #tpu.memory_space<vmem>>, vector<1024x1024xf32>
    %dot_general3A_89 = arith.constant dense<0.000000e+00> : vector<1x1024xf32>
    %dot_general3A_90 = tpu.matmul %mul3A_85, %get3A_88, %dot_general3A_89 {dimension_numbers = #tpu.dot_dimension_numbers<[1], [1], [0], [0], [0, 0, 1, 0], [], []>, transpose_lhs_hint = false} : vector<1x1024xf32>, vector<1024x1024xf32>, vector<1x1024xf32> -> vector<1x1024xf32>
    %get3A_91 = arith.constant 0 : index
    %get3A_92 = arith.constant 0 : index
    %get3A_93 = vector.load %arg10[%get3A_91, %get3A_92] : memref<1x1024xf32, #tpu.memory_space<vmem>>, vector<1x1024xf32>
    %add3A_94 = arith.addf %dot_general3A_90, %get3A_93 : vector<1x1024xf32>
    %get3A_95 = arith.constant 0 : index
    %get3A_96 = arith.constant 0 : index
    %get3A_97 = vector.load %arg2[%get3A_95, %get3A_96] : memref<1x512xf32, #tpu.memory_space<vmem>>, vector<1x512xf32>
    %get3A_98 = arith.constant 0 : index
    %get3A_99 = arith.constant 0 : index
    %get3A_100 = vector.load %arg11[%get3A_98, %get3A_99] : memref<1024x512xf32, #tpu.memory_space<vmem>>, vector<1024x512xf32>
    %dot_general3A_101 = arith.constant dense<0.000000e+00> : vector<1x1024xf32>
    %dot_general3A_102 = tpu.matmul %get3A_97, %get3A_100, %dot_general3A_101 {dimension_numbers = #tpu.dot_dimension_numbers<[1], [1], [0], [0], [0, 0, 1, 0], [], []>, transpose_lhs_hint = false} : vector<1x512xf32>, vector<1024x512xf32>, vector<1x1024xf32> -> vector<1x1024xf32>
    %add3A_103 = arith.addf %add3A_94, %dot_general3A_102 : vector<1x1024xf32>
    %max3A_104 = arith.constant 0.000000e+00 : f32
    %max3A_105 = vector.broadcast %max3A_104 : f32 to vector<1x1024xf32>
    %max3A_106 = arith.maximumf %add3A_103, %max3A_105 : vector<1x1024xf32>
    %get3A_107 = arith.constant 0 : index
    %get3A_108 = arith.constant 0 : index
    %get3A_109 = vector.load %arg12[%get3A_107, %get3A_108] : memref<256x1024xf32, #tpu.memory_space<vmem>>, vector<256x1024xf32>
    %dot_general3A_110 = arith.constant dense<0.000000e+00> : vector<1x256xf32>
    %dot_general3A_111 = tpu.matmul %max3A_106, %get3A_109, %dot_general3A_110 {dimension_numbers = #tpu.dot_dimension_numbers<[1], [1], [0], [0], [0, 0, 1, 0], [], []>, transpose_lhs_hint = false} : vector<1x1024xf32>, vector<256x1024xf32>, vector<1x256xf32> -> vector<1x256xf32>
    %get3A_112 = arith.constant 0 : index
    %get3A_113 = arith.constant 0 : index
    %get3A_114 = vector.load %arg13[%get3A_112, %get3A_113] : memref<1x256xf32, #tpu.memory_space<vmem>>, vector<1x256xf32>
    %add3A_115 = arith.addf %dot_general3A_111, %get3A_114 : vector<1x256xf32>
    %swap3A = arith.constant 0 : index
    %swap3A_116 = arith.constant 0 : index
    %swap3A_117 = vector.load %arg14[%swap3A, %swap3A_116] : memref<1x256xf32, #tpu.memory_space<vmem>>, vector<1x256xf32>
    tpu.vector_store %arg14[%swap3A, %swap3A_116], %add3A_115 {strides = array<i32>} : memref<1x256xf32, #tpu.memory_space<vmem>>, vector<1x256xf32>,
    return
  }
}

module attributes {stable_mosaic.version = 14 : i64} {
  func.func @_proj_body(%arg0: memref<1x512xf32, #tpu.memory_space<vmem>>, %arg1: memref<1024x512xf32, #tpu.memory_space<vmem>>, %arg2: memref<1x1024xf32, #tpu.memory_space<vmem>>, %arg3: memref<1x512xf32, #tpu.memory_space<vmem>>, %arg4: memref<1024x512xf32, #tpu.memory_space<vmem>>, %arg5: memref<1x1024xf32, #tpu.memory_space<vmem>>, %arg6: memref<1x1024xf32, #tpu.memory_space<vmem>>, %arg7: memref<1x1024xf32, #tpu.memory_space<vmem>>) attributes {dimension_semantics = [], scalar_prefetch = 0 : i64, scratch_operands = 0 : i64, tpu.core_type = #tpu.core_type<tc>} {
    %get3A = arith.constant 0 : index
    %get3A_0 = arith.constant 0 : index
    %get3A_1 = vector.load %arg0[%get3A, %get3A_0] : memref<1x512xf32, #tpu.memory_space<vmem>>, vector<1x512xf32>
    %get3A_2 = arith.constant 0 : index
    %get3A_3 = arith.constant 0 : index
    %get3A_4 = vector.load %arg1[%get3A_2, %get3A_3] : memref<1024x512xf32, #tpu.memory_space<vmem>>, vector<1024x512xf32>
    %dot_general3A = arith.constant dense<0.000000e+00> : vector<1x1024xf32>
    %dot_general3A_5 = tpu.matmul %get3A_1, %get3A_4, %dot_general3A {dimension_numbers = #tpu.dot_dimension_numbers<[1], [1], [0], [0], [0, 0, 1, 0], [], []>, transpose_lhs_hint = false} : vector<1x512xf32>, vector<1024x512xf32>, vector<1x1024xf32> -> vector<1x1024xf32>
    %get3A_6 = arith.constant 0 : index
    %get3A_7 = arith.constant 0 : index
    %get3A_8 = vector.load %arg2[%get3A_6, %get3A_7] : memref<1x1024xf32, #tpu.memory_space<vmem>>, vector<1x1024xf32>
    %add3A = arith.addf %dot_general3A_5, %get3A_8 : vector<1x1024xf32>
    %swap3A = arith.constant 0 : index
    %swap3A_9 = arith.constant 0 : index
    %swap3A_10 = vector.load %arg6[%swap3A, %swap3A_9] : memref<1x1024xf32, #tpu.memory_space<vmem>>, vector<1x1024xf32>
    tpu.vector_store %arg6[%swap3A, %swap3A_9], %add3A {strides = array<i32>} : memref<1x1024xf32, #tpu.memory_space<vmem>>, vector<1x1024xf32>,
    %get3A_11 = arith.constant 0 : index
    %get3A_12 = arith.constant 0 : index
    %get3A_13 = vector.load %arg3[%get3A_11, %get3A_12] : memref<1x512xf32, #tpu.memory_space<vmem>>, vector<1x512xf32>
    %get3A_14 = arith.constant 0 : index
    %get3A_15 = arith.constant 0 : index
    %get3A_16 = vector.load %arg4[%get3A_14, %get3A_15] : memref<1024x512xf32, #tpu.memory_space<vmem>>, vector<1024x512xf32>
    %dot_general3A_17 = arith.constant dense<0.000000e+00> : vector<1x1024xf32>
    %dot_general3A_18 = tpu.matmul %get3A_13, %get3A_16, %dot_general3A_17 {dimension_numbers = #tpu.dot_dimension_numbers<[1], [1], [0], [0], [0, 0, 1, 0], [], []>, transpose_lhs_hint = false} : vector<1x512xf32>, vector<1024x512xf32>, vector<1x1024xf32> -> vector<1x1024xf32>
    %get3A_19 = arith.constant 0 : index
    %get3A_20 = arith.constant 0 : index
    %get3A_21 = vector.load %arg5[%get3A_19, %get3A_20] : memref<1x1024xf32, #tpu.memory_space<vmem>>, vector<1x1024xf32>
    %add3A_22 = arith.addf %dot_general3A_18, %get3A_21 : vector<1x1024xf32>
    %swap3A_23 = arith.constant 0 : index
    %swap3A_24 = arith.constant 0 : index
    %swap3A_25 = vector.load %arg7[%swap3A_23, %swap3A_24] : memref<1x1024xf32, #tpu.memory_space<vmem>>, vector<1x1024xf32>
    tpu.vector_store %arg7[%swap3A_23, %swap3A_24], %add3A_22 {strides = array<i32>} : memref<1x1024xf32, #tpu.memory_space<vmem>>, vector<1x1024xf32>,
    return
  }
}

</mosaic_0001>

<sc_bundles>
// kernel: kernel.5.cloned.1.call-start
scs
__scs_entry_jumppad:
0x0: {  	(pc) =	sbr.rel $0x88, $3  }
0x1: {  	(tag) =	ssettag $0x0;
	lr =	simm.s32 $0x1  }
0x2: {  	[smem:$0x3F8D] =	sst lr;
	_ =	strace $0xD0000000  }
0x3: {  	_ = 	snop  }
0x4: {  	_ = 	snop  }
0x5: {  	_ = 	snop  }
0x6: {  	_ = 	snop  }
0x7: {  	_ = 	snop  }
__scs_overlays_trampoline_lowered:
0x8: {  	[smem:$0x3F9C] =	sst s0  }
0x9: {  	[smem:$0x3F9D] =	sst s1  }
0xa: {  	[smem:$0x3F9E] =	sst s2  }
0xb: {  	[smem:$0x3F9F] =	sst s3  }
0xc: {  	[smem:$0x3FA0] =	sst s4  }
0xd: {  	[smem:$0x3FA1] =	sst s5  }
0xe: {  	[smem:$0x3FA2] =	sst s6  }
0xf: {  	[smem:$0x3FA3] =	sst s7  }
0x10: {  	[smem:$0x3FA4] =	sst s8  }
0x11: {  	[smem:$0x3FA5] =	sst s9;
	s0 =	simm.s32 @!p0 $0x0  }
0x12: {  	s1 =	sld [smem:$0x3F8B];
	s0 =	simm.s32 @p0 $0x1  }
0x13: {  	[smem:$0x3FA6] =	sst s0;
	s0 =	simm.s32 @!p1 $0x0  }
0x14: {  	s2 =	sld [smem:$0x3F8A];
	s0 =	simm.s32 @p1 $0x1  }
0x15: {  	[smem:$0x3FA7] =	sst s0;
	s0 =	simm.s32 @!p2 $0x0  }
0x16: {  	s3 =	sld [smem:$0x3FDB];
	s0 =	simm.s32 @p2 $0x1  }
0x17: {  	s4 =	simm.s32 $0x1BF5;
	[smem:$0x3FA9] =	sst s0  }
0x18: {  	s0 =	sld [smem:$0x3F8C];
	_ =	swait.ge [sflag:s4], $0x0  }
0x19: {  	s7 =	sld [smem:$0x3F8D]  }
0x1a: {  	s8 =	sadd.s32 $0xFFFFE003, lr  }
0x1b: {  	s9 =	sadd.s32 $0xFFFFFEF7, lr;
	s5 =	simm.s32 $0xFFFFFFFF;
	p2 =	slt.u32 s8, $0xFFFFF086  }
0x1c: {  	p1 =	slt.u32 s9, $0xF7A;
	s5 =	simm.s32 @!p2 $0x0  }
0x1d: {  	s5 =	simm.s32 @p1 $0x1;
	p0 =	seq.s32 s7, s2  }
0x1e: {  	s7 =	smul.u32 @!p0 $0xF7A, s2;
	p2 =	seq.s32 @!p0 s5, $0x0  }
0x1f: {  	s9 =	smul.u32 $0xF7A, s1;
	s8 =	simm.s32 @!p0 $0x1BF5;
	p2 =	por !p2, p0  }
0x20: {  	[sflag:s8] =	ssyncset.s32 @!p0 $0xFFFFF086;
	s6 =	sadd.s32 @!p0 s3, s7;
	s7 =	simm.s32 @!p0 $0x108  }
0x21: {  	s3 =	sadd.s32 s3, s9;
	s6 =	sadd.s32 @!p0 $0x88, s6;
	s7 =	simm.s32 @p2 $0x1082  }
0x22: {  	[simem:s7], [sflag:s8] =	dma.local @!p0 [hbm:s6], $0xF7A  }
0x23: {  	s9 =	sor.u32 $0xD0000000, s2;
	s6 =	simm.s32 $0x108;
	_ =	swait.ge @!p0 [sflag:s8], $0x0  }
0x24: {  	s3 =	sadd.s32 $0x88, s3;
	s6 =	simm.s32 @!p1 $0x1082;
	[sflag:s4] =	ssyncset.s32 $0xFFFFF086  }
0x25: {  	[simem:s6], [sflag:s4] =	dma.local [hbm:s3], $0xF7A  }
0x26: {  	[smem:$0x3F8D] =	sst s1;
	(tag) =	ssettag s2;
	_ =	strace s9  }
0x27: {  	s1 =	sld [smem:$0x3F9D]  }
0x28: {  	s2 =	sld [smem:$0x3F9E]  }
0x29: {  	s4 =	sld [smem:$0x3FA0]  }
0x2a: {  	p0 =	seq.s32 s5, $0x0;
	s5 =	sld [smem:$0x3FA1]  }
0x2b: {  	s6 =	sld [smem:$0x3FA2]  }
0x2c: {  	s7 =	sld [smem:$0x3FA3]  }
0x2d: {  	s3 =	simm.s32 $0x108;
	s8 =	sld [smem:$0x3FA4]  }
0x2e: {  	s3 =	simm.s32 @!p0 $0x1082;
	s9 =	sld [smem:$0x3FA5]  }
0x2f: {  	lr =	sadd.s32 s0, s3;
	s0 =	sld [smem:$0x3F9C]  }
0x30: {  	s3 =	sld [smem:$0x3F9F]  }
0x31: {  	[smem:$0x3FA8] =	sst s10  }
0x32: {  	s10 =	sld [smem:$0x3FA6];
	_ =	sdelay $0x3  }
0x33: {  	p0 =	seq.s32 s10, $0x1;
	s10 =	sld [smem:$0x3FA8];
	_ =	sdelay $0x3  }
0x34: {  	[smem:$0x3FA8] =	sst s10  }
0x35: {  	s10 =	sld [smem:$0x3FA7];
	_ =	sdelay $0x3  }
0x36: {  	p1 =	seq.s32 s10, $0x1;
	s10 =	sld [smem:$0x3FA8];
	_ =	sdelay $0x3  }
0x37: {  	[smem:$0x3FA8] =	sst s10  }
0x38: {  	s10 =	sld [smem:$0x3FA9]  }
0x39: {  	_ = 	snop;
	(pc) =	sbr.ind lr, $3  }
0x3a: {  	_ = 	snop  }
0x3b: {  	_ = 	snop  }
0x3c: {  	p2 =	seq.s32 s10, $0x1;
	s10 =	sld [smem:$0x3FA8]  }
0x3d: {  	_ =	shalt  }
0x3e: {  	_ =	shalt  }
0x3f: {  	_ =	shalt  }
0x40: {  	_ =	shalt  }
0x41: {  	_ =	shalt  }
0x42: {  	_ =	shalt  }
0x43: {  	_ =	shalt  }
0x44: {  	_ =	shalt  }
0x45: {  	_ =	shalt  }
0x46: {  	_ =	shalt  }
0x47: {  	_ =	shalt  }
0x48: {  	_ =	shalt  }
0x49: {  	_ =	shalt  }
0x4a: {  	_ =	shalt  }
0x4b: {  	_ =	shalt  }
0x4c: {  	_ =	shalt  }
0x4d: {  	_ =	shalt  }
0x4e: {  	_ =	shalt  }
0x4f: {  	_ =	shalt  }
0x50: {  	_ =	shalt  }
0x51: {  	_ =	shalt  }
0x52: {  	_ =	shalt  }
0x53: {  	_ =	shalt  }
0x54: {  	_ =	shalt  }
0x55: {  	_ =	shalt  }
0x56: {  	_ =	shalt  }
0x57: {  	_ =	shalt  }
0x58: {  	_ =	shalt  }
0x59: {  	_ =	shalt  }
0x5a: {  	_ =	shalt  }
0x5b: {  	_ =	shalt  }
0x5c: {  	_ =	shalt  }
0x5d: {  	_ =	shalt  }
0x5e: {  	_ =	shalt  }
0x5f: {  	_ =	shalt  }
0x60: {  	_ =	shalt  }
0x61: {  	_ =	shalt  }
0x62: {  	_ =	shalt  }
0x63: {  	_ =	shalt  }
0x64: {  	_ =	shalt  }
0x65: {  	_ =	shalt  }
0x66: {  	_ =	shalt  }
0x67: {  	_ =	shalt  }
0x68: {  	_ =	shalt  }
0x69: {  	_ =	shalt  }
0x6a: {  	_ =	shalt  }
0x6b: {  	_ =	shalt  }
0x6c: {  	_ =	shalt  }
0x6d: {  	_ =	shalt  }
0x6e: {  	_ =	shalt  }
0x6f: {  	_ =	shalt  }
0x70: {  	_ =	shalt  }
0x71: {  	_ =	shalt  }
0x72: {  	_ =	shalt  }
0x73: {  	_ =	shalt  }
0x74: {  	_ =	shalt  }
0x75: {  	_ =	shalt  }
0x76: {  	_ =	shalt  }
0x77: {  	_ =	shalt  }
0x78: {  	_ =	shalt  }
0x79: {  	_ =	shalt  }
0x7a: {  	_ =	shalt  }
0x7b: {  	_ =	shalt  }
0x7c: {  	_ =	shalt  }
0x7d: {  	_ =	shalt  }
0x7e: {  	_ =	shalt  }
0x7f: {  	_ =	shalt  }
0x80: {  	_ =	shalt  }
0x81: {  	_ =	shalt  }
0x82: {  	_ =	shalt  }
0x83: {  	_ =	shalt  }
0x84: {  	_ =	shalt  }
0x85: {  	_ =	shalt  }
0x86: {  	_ =	shalt  }
0x87: {  	_ =	shalt  }
.Lfunc_end0:
.L_simem_size_0:
called_computation_lowered:
.L_overlay_start_0:
0x88: {  	s2 =	sld [smem:$0x3FD9]  }
0x89: {  	s3 =	sld [smem:$0x3FFE];
	_ =	sdelay $0x1  }
0x8a: {  	s1 =	srdreg.scid  }
0x8b: {  	s0 =	sand.u32 $0x1, s1  }
0x8c: {  	s17 =	sshll.u32 s0, $0xA;
	s2 =	sadd.s32 s3, s2  }
0x8d: {  	s2 =	sadd.s32 s2, s17  }
0x8e: {  	[smem:$0x3FB4] =	sst s2  }
0x8f: {  	_ = 	snop  }
0x90: {  	s2 =	sld [smem:$0x3FC7]  }
0x91: {  	s18 =	sld [smem:$0x3FC6]  }
0x92: {  	s4 =	sld [smem:$0x3FC5];
	(tm) =	ssettm $0x1  }
0x93: {  	s5 =	sld [smem:$0x3FFB];
	_ =	sdelay $0x3  }
0x94: {  	_ =	strace s5  }
0x95: {  	s5 =	sld [smem:$0x3FFC];
	_ =	sdelay $0x3  }
0x96: {  	_ =	strace s5  }
0x97: {  	s5 =	sld [smem:$0x3FFD];
	_ =	sdelay $0x3  }
0x98: {  	_ =	strace s5  }
0x99: {  	_ =	strace $0x8FFFFFFF  }
0x9a: {  	s19 =	sld [smem:$0x3FDB];
	_ =	sdelay $0x1  }
0x9b: {  	s6 =	simm.s32 $_scs_section_size  }
0x9c: {  	s7 =	simm.s32 $_size__tile_overlayer_lowered;
	s8 =	simm.s32 $_tile_overlayer_lowered  }
0x9d: {  	s22 =	simm.s32 $0x1BFF;
	s21 =	sshll.u32 s8, $0x1;
	s5 =	sadd.s32 s6, s19  }
0x9e: {  	s9 =	simm.s32 $0x0;
	s20 =	sshll.u32 s7, $0x1;
	s7 =	sadd.s32 s21, s5  }
0x9f: {  	[timem:s9], [sflag:s22] =	dma.local [hbm:s7], s20  }
0xa0: {  	_ =	swait.ge [sflag:s22], s20  }
0xa1: {  	s6 =	ssub.s32 $0x0, s20;
	[sflag:s22] =	ssyncset.done $0x0  }
0xa2: {  	[sflag:s22] =	ssyncadd.s32 s6;
	_ =	sdelay $0x1  }
0xa3: {  	s23 =	simm.s32 $0x1B8B  }
0xa4: {  	_ =	swait.ge [sflag:s23], $0x1  }
0xa5: {  	[sflag:s23] =	ssyncset.done $0x0  }
0xa6: {  	s25 =	simm.s32 $0x1B8E;
	s24 =	sld [smem:$0x3FFE];
	[sflag:s23] =	ssyncadd.s32 $0xFFFFFFFF  }
0xa7: {  	s26 =	simm.s32 $execute0_lowered;
	[smem:$0x3FD2] =	sst s25  }
0xa8: {  	s7 =	sshll.u32 s26, $0x1;
	_ =	strace $0x80000046;
	[dreg:$0x1] =	wrdreg $0xFFFFFFFF  }
0xa9: {  	s28 =	simm.s32 $_size_execute0_lowered;
	s5 =	sadd.s32 s5, s7;
	[dreg:$0x0] =	wrdreg $0x0  }
0xaa: {  	s7 =	sshll.u32 s28, $0x1;
	[dreg:$0x2] =	wrdreg s5  }
0xab: {  	[dreg:$0x3] =	wrdreg s7  }
0xac: {  	[dreg:$0x4] =	wrdreg $0xC0  }
0xad: {  	_ =	task [dreg:s9], $0x5FFFF  }
0xae: {  	[dreg:$0x1] =	wrdreg $0xFFFFFFFF  }
0xaf: {  	[dreg:$0x0] =	wrdreg $0x60  }
0xb0: {  	[dreg:$0x2] =	wrdreg s2  }
0xb1: {  	[dreg:$0x3] =	wrdreg s18  }
0xb2: {  	[dreg:$0x4] =	wrdreg s4  }
0xb3: {  	[dreg:$0x5] =	wrdreg s24  }
0xb4: {  	[dreg:$0x6] =	wrdreg $0x9  }
0xb5: {  	_ =	task.clear_ibuf [dreg:s9], $0x7FFFF;
	_ =	strace $0x90000046  }
0xb6: {  	s29 =	simm.s32 $0x9;
	_ =	strace $0x80000048  }
0xb7: {  	_ =	swait.ge [sflag:s29], $0x1  }
0xb8: {  	[sflag:s29] =	ssyncadd.s32 $0xFFFFFFFF  }
0xb9: {  	_ =	strace $0x90000048  }
0xba: {  	_ =	sfence  }
0xbb: {  	s30 =	sld [smem:$0x0];
	_ =	sdelay $0x2  }
0xbc: {  	s31 =	sshll.u32 s1, $0xD;
	s1 =	sshrl.u32 s1, $0x2  }
0xbd: {  	s3 =	sand.u32 $0x4000, s31;
	s1 =	sadd.s32 s1, s30  }
0xbe: {  	s0 =	sor.u32 s3, s0;
	s1 =	sshll.u32 s1, $0x11  }
0xbf: {  	s0 =	sor.u32 s1, s0  }
0xc0: {  	s0 =	sadd.s32 $0x8F2B, s0  }
0xc1: {  	[sflag:s0] =	ssyncadd.remote.s32 $0x1  }
0xc2: {  	_ =	sfence.sel $0xFFFF  }
0xc3: {  	[dreg:$0x0] =	wrdreg $0xFFFFFFFF;
	(pc) =	sbr.abs _section_cstart, $3  }
0xc4: {  	[dreg:$0x1] =	wrdreg $0xFFFFFFFF  }
0xc5: {  	_ =	task.clear_ibuf [dreg:s9], $0x2FFFF;
	_ =	strace $0x9FFFFFFF  }
0xc6: {  	(tm) =	ssettm $0x7FFFFFFF  }
0xc7: {  	_ =	shalt  }
tec
execute0_lowered:
.L_overlay_start_1:
0x0: {  	(tag) =	ssettag $0x1  }
0x1: {  	s0 =	rddreg [dreg:$0x0]  }
0x2: {  	s1 =	rddreg [dreg:$0x1]  }
0x3: {  	s8 =	rddreg [dreg:$0x2]  }
0x4: {  	s4 =	rddreg [dreg:$0x3];
	s2 =	simm.s32 $0x0;
	s3 =	srdreg.scid  }
0x5: {  	s6 =	stileid.u32;
	s12 =	simm.s32 $0x100;
	s18 =	simm.s32 $0x1  }
0x6: {  	s19 =	simm.s32 $0x2C00;
	s20 =	simm.s32 $0x3C00;
	s21 =	simm.s32 $0x4C00  }
0x7: {  	s22 =	simm.s32 $0x5C00;
	s23 =	simm.s32 $0x6C00;
	s25 =	simm.s32 $0x2  }
0x8: {  	s26 =	simm.s32 $0x0;
	[smem:$0x7FF] =	sst s2;
	s5 =	sand.u32 $0x1, s3  }
0x9: {  	s6 =	sshll.u32 s6, $0x1;
	s28 =	sadd.s32 $0x2E00, s4;
	_ =	strace $0x80000047  }
0xa: {  	[dreg:$0x5] =	wrdreg s28;
	s6 =	sor.u32 s5, s6;
	s5 =	ssub.s32 $0x2, s5  }
0xb: {  	s7 =	sshll.u32 s6, $0xA;
	s9 =	sshll.u32 s6, $0x9;
	s29 =	sshrl.u32 s5, $0x1  }
0xc: {  	s10 =	sadd.s32 s7, s4;
	s30 =	sor.u32 $0x10, s9;
	s11 =	ssub.s32 s5, s29  }
0xd: {  	v0 =	vlaneseq.u32;
	v2 =	vimm.f32 $1.000000000e+00;
	s31 =	sadd.s32 s0, s9;
	s6 =	sadd.s32 s1, s9;
	s8 =	sadd.s32 s8, s9  }
0xe: {  	vm0 =	vcmask $0x1F10;
	vm1 =	vcmask $0x2F20;
	v1 =	vand.u32 $0x3, v0;
	[dreg:$0x6] =	wrdreg s31;
	s5 =	sadd.s32 s0, s30;
	s7 =	sadd.s32 s1, s30  }
0xf: {  	vm2 =	vcmask $0x3F30;
	v0 =	vimm.f32 $0.0e+00;
	v1 =	vmul.u32 $0x80, v1;
	s9 =	sadd.s32 $0x3000, s10;
	s10 =	smax.u32 s11, $0x1;
	s11 =	simm.s32 $0x80  }
.LBB2_1:
0x10: {  	s0 =	rddreg [dreg:$0x5]  }
0x11: {  	[tilespmem:s2], [sflag:$0x1] =	stream.linear.gather [hbm4b:s0+s2], $0x400, $0x38;
	[tilespmem:$0x9C00] =	vst v63  }
0x12: {  	s14 =	rddreg [dreg:$0x6];
	s1 =	simm.s32 $0x400  }
0x13: {  	[tilespmem:s1], [sflag:$0x1] =	stream.strided.gather [hbm4b:s14+s11], $0x800, s12, s11, $0x38;
	[tilespmem:$0x9C00] =	vst v63  }
0x14: {  	s15 =	simm.s32 $0xC00  }
0x15: {  	[tilespmem:s15], [sflag:$0x1] =	stream.strided.gather [hbm4b:s5+s11], $0x800, s12, s11, $0x38;
	[tilespmem:$0x9C00] =	vst v63  }
0x16: {  	s16 =	simm.s32 $0x1400  }
0x17: {  	[tilespmem:s16], [sflag:$0x1] =	stream.strided.gather [hbm4b:s6+s11], $0x800, s12, s11, $0x38;
	[tilespmem:$0x9C00] =	vst v63  }
0x18: {  	s17 =	simm.s32 $0x1C00;
	s29 =	sand.u32 $0x60, s2;
	s13 =	sand.u32 $0xE00, s2  }
0x19: {  	[tilespmem:s17], [sflag:$0x1] =	stream.strided.gather [hbm4b:s7+s11], $0x800, s12, s11, $0x38;
	[tilespmem:$0x9C00] =	vst v63  }
0x1a: {  	s24 =	simm.s32 $0x2400;
	s0 =	sor.u32 s29, s13  }
0x1b: {  	[tilespmem:s24], [sflag:$0x1] =	stream.strided.gather [hbm4b:s8+s11], $0x800, s12, s11, $0x38;
	[tilespmem:$0x9C00] =	vst v63  }
0x1c: {  	[tilespmem:s0+$0x2C10] =	vst v0  }
0x1d: {  	s28 =	sand.u32 $0x3, s2;
	[tilespmem:s0+$0x2C90] =	vst v0  }
0x1e: {  	s14 =	sshll.u32 s28, $0x5;
	[tilespmem:s0+$0x2D10] =	vst v0  }
0x1f: {  	s30 =	sadd.s32 $0x0, s14;
	[tilespmem:s0+$0x2C00] =	vst v0  }
0x20: {  	s31 =	sadd.s32 $0x10, s30;
	[tilespmem:s0+$0x2C80] =	vst v0  }
0x21: {  	s13 =	sor.u32 $0x180, s31;
	[tilespmem:s0+$0x2D00] =	vst v0  }
0x22: {  	s1 =	sor.u32 $0x180, s30;
	[tilespmem:s13+$0x2C00] =	vst v0  }
0x23: {  	[tilespmem:s1+$0x2C00] =	vst v0  }
0x24: {  	[tilespmem:s0+$0x3C10] =	vst v0  }
0x25: {  	[tilespmem:s0+$0x3C90] =	vst v0  }
0x26: {  	[tilespmem:s0+$0x3D10] =	vst v0  }
0x27: {  	[tilespmem:s0+$0x3C00] =	vst v0  }
0x28: {  	[tilespmem:s0+$0x3C80] =	vst v0  }
0x29: {  	[tilespmem:s0+$0x3D00] =	vst v0  }
0x2a: {  	[tilespmem:s13+$0x3C00] =	vst v0  }
0x2b: {  	[tilespmem:s1+$0x3C00] =	vst v0  }
0x2c: {  	[tilespmem:s0+$0x4C10] =	vst v0  }
0x2d: {  	[tilespmem:s0+$0x4C90] =	vst v0  }
0x2e: {  	[tilespmem:s0+$0x4D10] =	vst v0  }
0x2f: {  	[tilespmem:s0+$0x4C00] =	vst v0  }
0x30: {  	[tilespmem:s0+$0x4C80] =	vst v0  }
0x31: {  	[tilespmem:s0+$0x4D00] =	vst v0  }
0x32: {  	[tilespmem:s13+$0x4C00] =	vst v0  }
0x33: {  	[tilespmem:s1+$0x4C00] =	vst v0  }
0x34: {  	[tilespmem:s0+$0x5C10] =	vst v0  }
0x35: {  	[tilespmem:s0+$0x5C90] =	vst v0  }
0x36: {  	[tilespmem:s0+$0x5D10] =	vst v0  }
0x37: {  	[tilespmem:s0+$0x5C00] =	vst v0  }
0x38: {  	[tilespmem:s0+$0x5C80] =	vst v0  }
0x39: {  	[tilespmem:s0+$0x5D00] =	vst v0  }
0x3a: {  	[tilespmem:s13+$0x5C00] =	vst v0  }
0x3b: {  	[tilespmem:s1+$0x5C00] =	vst v0  }
0x3c: {  	[tilespmem:s0+$0x6C10] =	vst v0  }
0x3d: {  	[tilespmem:s0+$0x6C90] =	vst v0  }
0x3e: {  	[tilespmem:s0+$0x6D10] =	vst v0  }
0x3f: {  	[tilespmem:s0+$0x6C00] =	vst v0  }
0x40: {  	s14 =	simm.s32 $0x80;
	[tilespmem:s0+$0x6C80] =	vst v0  }
0x41: {  	s15 =	simm.s32 $0x1;
	s16 =	simm.s32 $0x20;
	[tilespmem:s13+$0x6C00] =	vst v0;
	s13 =	simm.s32 $0x0  }
.LBB2_2:
0x42: {  	s17 =	sand.u32 $0x3, s15;
	s24 =	sand.u32 $0x60, s16;
	s28 =	sand.u32 $0xE00, s14;
	[tilespmem:s0+$0x6D00] =	vst v0  }
0x43: {  	s17 =	sshll.u32 s17, $0x5;
	s0 =	sor.u32 s24, s28;
	[tilespmem:s1+$0x6C00] =	vst v0  }
0x44: {  	s17 =	sadd.s32 s17, s14;
	[tilespmem:s0+$0x2C10] =	vst v0  }
0x45: {  	s1 =	sor.u32 $0x180, s17;
	[tilespmem:s0+$0x2C90] =	vst v0;
	s17 =	sadd.s32 $0x10, s17  }
0x46: {  	[tilespmem:s0+$0x2D10] =	vst v0;
	s17 =	sor.u32 $0x180, s17  }
0x47: {  	[tilespmem:s17+$0x2C00] =	vst v0  }
0x48: {  	[tilespmem:s0+$0x3C10] =	vst v0  }
0x49: {  	[tilespmem:s0+$0x3C90] =	vst v0  }
0x4a: {  	[tilespmem:s0+$0x3D10] =	vst v0  }
0x4b: {  	[tilespmem:s17+$0x3C00] =	vst v0  }
0x4c: {  	[tilespmem:s0+$0x4C10] =	vst v0  }
0x4d: {  	[tilespmem:s0+$0x4C90] =	vst v0  }
0x4e: {  	[tilespmem:s0+$0x4D10] =	vst v0  }
0x4f: {  	[tilespmem:s17+$0x4C00] =	vst v0  }
0x50: {  	[tilespmem:s0+$0x5C10] =	vst v0  }
0x51: {  	[tilespmem:s0+$0x5C90] =	vst v0  }
0x52: {  	s13 =	sadd.s32 $0x2, s13;
	[tilespmem:s0+$0x5D10] =	vst v0  }
0x53: {  	p0 =	slt.u32 s13, $0x3E;
	[tilespmem:s17+$0x5C00] =	vst v0  }
0x54: {  	[tilespmem:s0+$0x6C10] =	vst v0  }
0x55: {  	[tilespmem:s0+$0x6C90] =	vst v0  }
0x56: {  	[tilespmem:s0+$0x6D10] =	vst v0  }
0x57: {  	[tilespmem:s17+$0x6C00] =	vst v0  }
0x58: {  	[tilespmem:s0+$0x2C00] =	vst v0  }
0x59: {  	[tilespmem:s0+$0x2C80] =	vst v0  }
0x5a: {  	[tilespmem:s0+$0x2D00] =	vst v0  }
0x5b: {  	[tilespmem:s1+$0x2C00] =	vst v0  }
0x5c: {  	[tilespmem:s0+$0x3C00] =	vst v0  }
0x5d: {  	[tilespmem:s0+$0x3C80] =	vst v0  }
0x5e: {  	[tilespmem:s0+$0x3D00] =	vst v0  }
0x5f: {  	[tilespmem:s1+$0x3C00] =	vst v0  }
0x60: {  	[tilespmem:s0+$0x4C00] =	vst v0  }
0x61: {  	[tilespmem:s0+$0x4C80] =	vst v0  }
0x62: {  	[tilespmem:s0+$0x4D00] =	vst v0  }
0x63: {  	[tilespmem:s1+$0x4C00] =	vst v0  }
0x64: {  	[tilespmem:s0+$0x5C00] =	vst v0  }
.Ltmp0:
0x65: {  	[tilespmem:s0+$0x5C80] =	vst v0;
	(pc) =	sbr.rel @p0 .LBB2_2-.Ltmp0, $4  }
0x66: {  	[tilespmem:s0+$0x5D00] =	vst v0  }
0x67: {  	[tilespmem:s1+$0x5C00] =	vst v0  }
0x68: {  	[tilespmem:s0+$0x6C00] =	vst v0  }
0x69: {  	s15 =	sadd.s32 $0x1, s15;
	s16 =	sadd.s32 $0x20, s16;
	s14 =	sadd.s32 $0x80, s14;
	[tilespmem:s0+$0x6C80] =	vst v0  }
0x6a: {  	[tilespmem:s0+$0x6D00] =	vst v0  }
0x6b: {  	[tilespmem:s1+$0x6C00] =	vst v0  }
0x6c: {  	_ =	swait.ge [sflag:s18], $0x400  }
0x6d: {  	[sflag:s18] =	ssyncset.done $0x0  }
0x6e: {  	[sflag:s18] =	ssyncadd.s32 $0xFFFFFC00  }
0x6f: {  	_ =	swait.ge [sflag:s18], $0x800  }
0x70: {  	[sflag:s18] =	ssyncset.done $0x0  }
0x71: {  	[sflag:s18] =	ssyncadd.s32 $0xFFFFF800  }
0x72: {  	_ =	swait.ge [sflag:s18], $0x800  }
0x73: {  	[sflag:s18] =	ssyncset.done $0x0  }
0x74: {  	[sflag:s18] =	ssyncadd.s32 $0xFFFFF800  }
0x75: {  	_ =	swait.ge [sflag:s18], $0x800  }
0x76: {  	[sflag:s18] =	ssyncset.done $0x0  }
0x77: {  	[sflag:s18] =	ssyncadd.s32 $0xFFFFF800  }
0x78: {  	_ =	swait.ge [sflag:s18], $0x800  }
0x79: {  	[sflag:s18] =	ssyncset.done $0x0  }
0x7a: {  	[sflag:s18] =	ssyncadd.s32 $0xFFFFF800  }
0x7b: {  	_ =	swait.ge [sflag:s18], $0x800  }
0x7c: {  	[sflag:s18] =	ssyncset.done $0x0  }
0x7d: {  	s14 =	simm.s32 $0x410;
	[sflag:s18] =	ssyncadd.s32 $0xFFFFF800  }
0x7e: {  	s0 =	simm.s32 $0xC10;
	v3 =	vld [tilespmem:s14+$0x0]  }
0x7f: {  	s1 =	simm.s32 $0x1410;
	v4 =	vld [tilespmem:s0+$0x0]  }
0x80: {  	s13 =	simm.s32 $0x1C10;
	v5 =	vld [tilespmem:s1+$0x0]  }
0x81: {  	v6 =	vld [tilespmem:s13+$0x0];
	_ =	sdelay $0x1  }
0x82: {  	s28 =	simm.s32 $0x2410;
	v7 =	vld [tilespmem:s1+$0xFFFFFFF0]  }
0x83: {  	v8 =	vld [tilespmem:s28+$0x0];
	v9 =	vshll.u32 v4, $0x2  }
0x84: {  	v10 =	vld [tilespmem:s14+$0xFFFFFFF0];
	v4 =	vand.u32 $0x7F, v4;
	v9 =	vand.u32 $0xFFFFFE00, v9  }
0x85: {  	s29 =	simm.s32 $0x0;
	v11 =	vld [tilespmem:s0+$0xFFFFFFF0];
	v59 =	vshll.u32 v6, $0x2;
	v4 =	vor.u32 v9, v4  }
0x86: {  	v12 =	vld.idx.msk [tilespmem:v3+s29+$0x0], $0xffff;
	v13 =	vor.u32 v1, v4;
	v3 =	vand.u32 $0x7F, v6;
	v4 =	vand.u32 $0xFFFFFE00, v59  }
0x87: {  	v6 =	vld [tilespmem:s13+$0xFFFFFFF0];
	v3 =	vor.u32 v4, v3  }
0x88: {  	v60 =	vld.idx.msk [tilespmem:v5+s29+$0x0], $0xffff;
	v4 =	vshll.u32 v8, $0x2;
	v14 =	vor.u32 v1, v3  }
0x89: {  	v5 =	vld [tilespmem:s28+$0xFFFFFFF0];
	v3 =	vand.u32 $0x7F, v8;
	v4 =	vand.u32 $0xFFFFFE00, v4  }
0x8a: {  	v4 =	vor.u32 v4, v3;
	v3 =	vld.idx.msk [tilespmem:v7+s29+$0x0], $0xffff  }
0x8b: {  	v8 =	vor.u32 v1, v4;
	v4 =	vshll.u32 v11, $0x2;
	[tilespmem:v13+s19+$0x0] =	vst.idx.add.f32.msk $0xf, v12  }
0x8c: {  	v7 =	vand.u32 $0x7F, v11;
	v4 =	vand.u32 $0xFFFFFE00, v4;
	[tilespmem:v13+s20+$0x0] =	vst.idx.add.f32.msk $0xf, v2  }
0x8d: {  	v4 =	vor.u32 v4, v7;
	v7 =	vshll.u32 v6, $0x2;
	[tilespmem:v14+s21+$0x0] =	vst.idx.add.f32.msk $0xf, v60  }
0x8e: {  	v61 =	vand.u32 $0xFFFFFE00, v7;
	v7 =	vld.idx.msk [tilespmem:v10+s29+$0x0], $0xffff  }
0x8f: {  	v4 =	vor.u32 v1, v4;
	[tilespmem:v14+s22+$0x0] =	vst.idx.add.f32.msk $0xf, v2  }
0x90: {  	[tilespmem:v8+s23+$0x0] =	vst.idx.add.f32.msk $0xf, v2  }
0x91: {  	v6 =	vand.u32 $0x7F, v6;
	[tilespmem:v13+s19+$0x0] =	vst.idx.add.f32.msk vm0, v12  }
0x92: {  	v6 =	vor.u32 v61, v6;
	[tilespmem:v13+s20+$0x0] =	vst.idx.add.f32.msk vm0, v2  }
0x93: {  	v62 =	vshll.u32 v5, $0x2;
	v63 =	vand.u32 $0x7F, v5;
	v5 =	vor.u32 v1, v6;
	[tilespmem:v14+s21+$0x0] =	vst.idx.add.f32.msk vm0, v60  }
0x94: {  	[tilespmem:v4+s19+$0x0] =	vst.idx.add.f32.msk $0xf, v7  }
0x95: {  	v6 =	vand.u32 $0xFFFFFE00, v62;
	[tilespmem:v14+s22+$0x0] =	vst.idx.add.f32.msk vm0, v2  }
0x96: {  	v6 =	vor.u32 v6, v63;
	[tilespmem:v4+s20+$0x0] =	vst.idx.add.f32.msk $0xf, v2  }
0x97: {  	v6 =	vor.u32 v1, v6;
	[tilespmem:v8+s23+$0x0] =	vst.idx.add.f32.msk vm0, v2  }
0x98: {  	[tilespmem:v5+s21+$0x0] =	vst.idx.add.f32.msk $0xf, v3  }
0x99: {  	[tilespmem:v13+s19+$0x0] =	vst.idx.add.f32.msk vm1, v12  }
0x9a: {  	[tilespmem:v5+s22+$0x0] =	vst.idx.add.f32.msk $0xf, v2  }
0x9b: {  	[tilespmem:v13+s20+$0x0] =	vst.idx.add.f32.msk vm1, v2  }
0x9c: {  	[tilespmem:v6+s23+$0x0] =	vst.idx.add.f32.msk $0xf, v2  }
0x9d: {  	[tilespmem:v14+s21+$0x0] =	vst.idx.add.f32.msk vm1, v60  }
0x9e: {  	[tilespmem:v4+s19+$0x0] =	vst.idx.add.f32.msk vm0, v7  }
0x9f: {  	[tilespmem:v14+s22+$0x0] =	vst.idx.add.f32.msk vm1, v2  }
0xa0: {  	[tilespmem:v4+s20+$0x0] =	vst.idx.add.f32.msk vm0, v2  }
0xa1: {  	[tilespmem:v8+s23+$0x0] =	vst.idx.add.f32.msk vm1, v2  }
0xa2: {  	[tilespmem:v5+s21+$0x0] =	vst.idx.add.f32.msk vm0, v3  }
0xa3: {  	[tilespmem:v13+s19+$0x0] =	vst.idx.add.f32.msk vm2, v12  }
0xa4: {  	[tilespmem:v5+s22+$0x0] =	vst.idx.add.f32.msk vm0, v2  }
0xa5: {  	[tilespmem:v13+s20+$0x0] =	vst.idx.add.f32.msk vm2, v2  }
0xa6: {  	[tilespmem:v6+s23+$0x0] =	vst.idx.add.f32.msk vm0, v2  }
0xa7: {  	[tilespmem:v14+s21+$0x0] =	vst.idx.add.f32.msk vm2, v60  }
0xa8: {  	[tilespmem:v4+s19+$0x0] =	vst.idx.add.f32.msk vm1, v7  }
0xa9: {  	[tilespmem:v14+s22+$0x0] =	vst.idx.add.f32.msk vm2, v2  }
0xaa: {  	[tilespmem:v4+s20+$0x0] =	vst.idx.add.f32.msk vm1, v2  }
0xab: {  	[tilespmem:v8+s23+$0x0] =	vst.idx.add.f32.msk vm2, v2  }
0xac: {  	[tilespmem:v5+s21+$0x0] =	vst.idx.add.f32.msk vm1, v3  }
0xad: {  	s15 =	simm.s32 $0x430;
	s14 =	simm.s32 $0x0;
	[tilespmem:v5+s22+$0x0] =	vst.idx.add.f32.msk vm1, v2  }
.LBB2_4:
0xae: {  	v8 =	vld [tilespmem:s15+$0x0];
	s0 =	sadd.s32 $0x20, s0  }
0xaf: {  	s1 =	sadd.s32 $0x20, s1;
	v9 =	vld [tilespmem:s0+$0x0]  }
0xb0: {  	s13 =	sadd.s32 $0x20, s13;
	v10 =	vld [tilespmem:s1+$0x0]  }
0xb1: {  	v11 =	vld [tilespmem:s13+$0x0]  }
0xb2: {  	s28 =	sadd.s32 $0x20, s28;
	v12 =	vld [tilespmem:s1+$0xFFFFFFF0]  }
0xb3: {  	v13 =	vld [tilespmem:s28+$0x0]  }
0xb4: {  	v14 =	vld [tilespmem:s15+$0xFFFFFFF0];
	v15 =	vshll.u32 v9, $0x2  }
0xb5: {  	v9 =	vand.u32 $0x7F, v9;
	v16 =	vld [tilespmem:s0+$0xFFFFFFF0];
	v15 =	vand.u32 $0xFFFFFE00, v15  }
0xb6: {  	v8 =	vld.idx.msk [tilespmem:v8+s29+$0x0], $0xffff;
	v9 =	vor.u32 v15, v9;
	v15 =	vshll.u32 v11, $0x2  }
0xb7: {  	v11 =	vand.u32 $0x7F, v11;
	v17 =	vld [tilespmem:s13+$0xFFFFFFF0];
	v9 =	vor.u32 v1, v9;
	v15 =	vand.u32 $0xFFFFFE00, v15  }
0xb8: {  	v10 =	vld.idx.msk [tilespmem:v10+s29+$0x0], $0xffff;
	v11 =	vor.u32 v15, v11;
	v15 =	vshll.u32 v13, $0x2  }
0xb9: {  	v13 =	vand.u32 $0x7F, v13;
	v18 =	vld [tilespmem:s28+$0xFFFFFFF0];
	v11 =	vor.u32 v1, v11;
	v15 =	vand.u32 $0xFFFFFE00, v15  }
0xba: {  	v12 =	vld.idx.msk [tilespmem:v12+s29+$0x0], $0xffff;
	v19 =	vand.u32 $0x7F, v16;
	v16 =	vshll.u32 v16, $0x2;
	v13 =	vor.u32 v15, v13  }
0xbb: {  	v15 =	vand.u32 $0xFFFFFE00, v16;
	v13 =	vor.u32 v1, v13;
	[tilespmem:v6+s23+$0x0] =	vst.idx.add.f32.msk vm1, v2  }
0xbc: {  	v15 =	vor.u32 v15, v19;
	v16 =	vand.u32 $0x7F, v17;
	v17 =	vshll.u32 v17, $0x2;
	[tilespmem:v9+s19+$0x0] =	vst.idx.add.f32.msk $0xf, v8  }
0xbd: {  	v15 =	vor.u32 v1, v15;
	v17 =	vand.u32 $0xFFFFFE00, v17;
	[tilespmem:v9+s20+$0x0] =	vst.idx.add.f32.msk $0xf, v2  }
0xbe: {  	v16 =	vor.u32 v17, v16;
	v17 =	vand.u32 $0x7F, v18;
	v18 =	vshll.u32 v18, $0x2;
	[tilespmem:v11+s21+$0x0] =	vst.idx.add.f32.msk $0xf, v10  }
0xbf: {  	v16 =	vor.u32 v1, v16;
	v18 =	vand.u32 $0xFFFFFE00, v18;
	[tilespmem:v11+s22+$0x0] =	vst.idx.add.f32.msk $0xf, v2  }
0xc0: {  	v17 =	vor.u32 v18, v17;
	[tilespmem:v13+s23+$0x0] =	vst.idx.add.f32.msk $0xf, v2  }
0xc1: {  	s14 =	sadd.s32 $0x2, s14;
	v17 =	vor.u32 v1, v17;
	[tilespmem:v9+s19+$0x0] =	vst.idx.add.f32.msk vm0, v8  }
0xc2: {  	p0 =	slt.u32 s14, $0x7E;
	[tilespmem:v9+s20+$0x0] =	vst.idx.add.f32.msk vm0, v2  }
0xc3: {  	[tilespmem:v11+s21+$0x0] =	vst.idx.add.f32.msk vm0, v10  }
0xc4: {  	[tilespmem:v11+s22+$0x0] =	vst.idx.add.f32.msk vm0, v2  }
0xc5: {  	[tilespmem:v13+s23+$0x0] =	vst.idx.add.f32.msk vm0, v2  }
0xc6: {  	[tilespmem:v9+s19+$0x0] =	vst.idx.add.f32.msk vm1, v8  }
0xc7: {  	[tilespmem:v9+s20+$0x0] =	vst.idx.add.f32.msk vm1, v2  }
0xc8: {  	[tilespmem:v11+s21+$0x0] =	vst.idx.add.f32.msk vm1, v10  }
0xc9: {  	[tilespmem:v11+s22+$0x0] =	vst.idx.add.f32.msk vm1, v2  }
0xca: {  	[tilespmem:v13+s23+$0x0] =	vst.idx.add.f32.msk vm1, v2  }
0xcb: {  	[tilespmem:v9+s19+$0x0] =	vst.idx.add.f32.msk vm2, v8  }
0xcc: {  	[tilespmem:v9+s20+$0x0] =	vst.idx.add.f32.msk vm2, v2  }
0xcd: {  	[tilespmem:v11+s21+$0x0] =	vst.idx.add.f32.msk vm2, v10  }
0xce: {  	[tilespmem:v11+s22+$0x0] =	vst.idx.add.f32.msk vm2, v2  }
0xcf: {  	[tilespmem:v13+s23+$0x0] =	vst.idx.add.f32.msk vm2, v2  }
0xd0: {  	v8 =	vld.idx.msk [tilespmem:v14+s29+$0x0], $0xffff  }
0xd1: {  	[tilespmem:v4+s19+$0x0] =	vst.idx.add.f32.msk vm2, v7  }
0xd2: {  	[tilespmem:v4+s20+$0x0] =	vst.idx.add.f32.msk vm2, v2;
	v4 =	vmov v15  }
0xd3: {  	[tilespmem:v5+s21+$0x0] =	vst.idx.add.f32.msk vm2, v3;
	v3 =	vmov v12  }
0xd4: {  	[tilespmem:v5+s22+$0x0] =	vst.idx.add.f32.msk vm2, v2;
	v5 =	vmov v16  }
0xd5: {  	[tilespmem:v6+s23+$0x0] =	vst.idx.add.f32.msk vm2, v2;
	v6 =	vmov v17  }
0xd6: {  	v7 =	vmov v8;
	[tilespmem:v15+s19+$0x0] =	vst.idx.add.f32.msk $0xf, v8  }
0xd7: {  	[tilespmem:v15+s20+$0x0] =	vst.idx.add.f32.msk $0xf, v2  }
0xd8: {  	[tilespmem:v16+s21+$0x0] =	vst.idx.add.f32.msk $0xf, v3  }
0xd9: {  	[tilespmem:v16+s22+$0x0] =	vst.idx.add.f32.msk $0xf, v2  }
0xda: {  	[tilespmem:v17+s23+$0x0] =	vst.idx.add.f32.msk $0xf, v2  }
0xdb: {  	[tilespmem:v15+s19+$0x0] =	vst.idx.add.f32.msk vm0, v7  }
0xdc: {  	[tilespmem:v15+s20+$0x0] =	vst.idx.add.f32.msk vm0, v2  }
0xdd: {  	[tilespmem:v16+s21+$0x0] =	vst.idx.add.f32.msk vm0, v3  }
0xde: {  	[tilespmem:v16+s22+$0x0] =	vst.idx.add.f32.msk vm0, v2  }
.Ltmp1:
0xdf: {  	[tilespmem:v17+s23+$0x0] =	vst.idx.add.f32.msk vm0, v2;
	(pc) =	sbr.rel @p0 .LBB2_4-.Ltmp1, $4  }
0xe0: {  	[tilespmem:v15+s19+$0x0] =	vst.idx.add.f32.msk vm1, v7  }
0xe1: {  	[tilespmem:v15+s20+$0x0] =	vst.idx.add.f32.msk vm1, v2  }
0xe2: {  	[tilespmem:v16+s21+$0x0] =	vst.idx.add.f32.msk vm1, v3  }
0xe3: {  	s15 =	sadd.s32 $0x20, s15;
	[tilespmem:v16+s22+$0x0] =	vst.idx.add.f32.msk vm1, v2  }
0xe4: {  	_ =	sdelay $0x4  }
0xe5: {  	[tilespmem:v6+s23+$0x0] =	vst.idx.add.f32.msk vm1, v2  }
0xe6: {  	[tilespmem:v4+s19+$0x0] =	vst.idx.add.f32.msk vm2, v7  }
0xe7: {  	[tilespmem:v4+s20+$0x0] =	vst.idx.add.f32.msk vm2, v2  }
0xe8: {  	s1 =	sand.u32 $0x60, s29;
	s0 =	simm.s32 $0x0;
	[tilespmem:v5+s21+$0x0] =	vst.idx.add.f32.msk vm2, v3  }
0xe9: {  	s13 =	sand.u32 $0xFFFFFE00, s0;
	s15 =	sor.u32 $0x10, s1;
	[tilespmem:v5+s22+$0x0] =	vst.idx.add.f32.msk vm2, v2  }
0xea: {  	s0 =	sor.u32 s13, s15;
	[tilespmem:v6+s23+$0x0] =	vst.idx.add.f32.msk vm2, v2  }
0xeb: {  	v3 =	vld [tilespmem:s0+$0x2C00]  }
0xec: {  	v4 =	vld [tilespmem:s0+$0x2C80];
	_ =	sdelay $0x1  }
0xed: {  	v5 =	vld [tilespmem:s0+$0x2D00];
	_ =	sdelay $0x1  }
0xee: {  	s14 =	sor.u32 s1, s13;
	v6 =	vld [tilespmem:s0+$0x2D80]  }
0xef: {  	v7 =	vld [tilespmem:s14+$0x2C80];
	v3 =	vadd.f32 v4, v3  }
0xf0: {  	v4 =	vld [tilespmem:s14+$0x2C00]  }
0xf1: {  	s17 =	simm.s32 $0x0;
	v3 =	vadd.f32 v5, v3  }
0xf2: {  	s13 =	sand.u32 $0x3FFFFC00, s17;
	v5 =	vld [tilespmem:s14+$0x2D00]  }
0xf3: {  	s13 =	sadd.s32 $0x7C00, s13;
	v3 =	vadd.f32 v6, v3  }
0xf4: {  	s16 =	sor.u32 s15, s13;
	v6 =	vld [tilespmem:s14+$0x2D80]  }
0xf5: {  	[tilespmem:s16+$0x0] =	vst v3;
	v3 =	vadd.f32 v7, v4  }
0xf6: {  	v4 =	vld [tilespmem:s0+$0x3C00]  }
0xf7: {  	v7 =	vld [tilespmem:s0+$0x3C80];
	v3 =	vadd.f32 v5, v3;
	_ =	sdelay $0x1  }
0xf8: {  	v5 =	vld [tilespmem:s0+$0x3D00];
	v3 =	vadd.f32 v6, v3  }
0xf9: {  	s28 =	sor.u32 s1, s13  }
0xfa: {  	v6 =	vld [tilespmem:s0+$0x3D80];
	[tilespmem:s28+$0x0] =	vst v3  }
0xfb: {  	v3 =	vadd.f32 v7, v4;
	v4 =	vld [tilespmem:s14+$0x3C00]  }
0xfc: {  	v7 =	vld [tilespmem:s14+$0x3C80]  }
0xfd: {  	v3 =	vadd.f32 v5, v3  }
0xfe: {  	v5 =	vld [tilespmem:s14+$0x3D00]  }
0xff: {  	v3 =	vadd.f32 v6, v3  }
0x100: {  	v6 =	vld [tilespmem:s14+$0x3D80]  }
0x101: {  	[tilespmem:s16+$0x80] =	vst v3;
	v3 =	vadd.f32 v7, v4  }
0x102: {  	s24 =	simm.s32 $0x20;
	v4 =	vld [tilespmem:s0+$0x4C00]  }
0x103: {  	s3 =	simm.s32 $0x80;
	s1 =	sand.u32 $0x60, s24;
	v7 =	vld [tilespmem:s0+$0x4C80];
	v3 =	vadd.f32 v5, v3  }
0x104: {  	s13 =	sand.u32 $0xFFFFFE00, s3;
	s4 =	sor.u32 $0x10, s1  }
0x105: {  	s24 =	sor.u32 s13, s4;
	v5 =	vld [tilespmem:s0+$0x4D00];
	v3 =	vadd.f32 v6, v3  }
0x106: {  	v9 =	vld [tilespmem:s24+$0x2C80]  }
0x107: {  	v6 =	vld [tilespmem:s0+$0x4D80];
	[tilespmem:s28+$0x80] =	vst v3  }
0x108: {  	v3 =	vadd.f32 v7, v4;
	v4 =	vld [tilespmem:s14+$0x4C00]  }
0x109: {  	v7 =	vld [tilespmem:s14+$0x4C80]  }
0x10a: {  	v11 =	vld [tilespmem:s24+$0x2D00];
	v3 =	vadd.f32 v5, v3  }
0x10b: {  	v8 =	vld [tilespmem:s14+$0x4D80]  }
0x10c: {  	v5 =	vld [tilespmem:s14+$0x4D00];
	v3 =	vadd.f32 v6, v3  }
0x10d: {  	v6 =	vld [tilespmem:s24+$0x2C00]  }
0x10e: {  	[tilespmem:s16+$0x100] =	vst v3;
	v4 =	vadd.f32 v7, v4;
	v7 =	vld [tilespmem:s24+$0x2D80]  }
0x10f: {  	v3 =	vld [tilespmem:s0+$0x5C00]  }
0x110: {  	v10 =	vld [tilespmem:s0+$0x5C80]  }
0x111: {  	s29 =	sor.u32 s1, s13;
	v12 =	vld [tilespmem:s0+$0x5D00]  }
0x112: {  	v4 =	vadd.f32 v5, v4;
	v5 =	vld [tilespmem:s29+$0x2C80];
	v6 =	vadd.f32 v9, v6  }
0x113: {  	v9 =	vld [tilespmem:s29+$0x2C00]  }
0x114: {  	s17 =	simm.s32 $0x100;
	v13 =	vld [tilespmem:s0+$0x5D80];
	v4 =	vadd.f32 v8, v4;
	v6 =	vadd.f32 v11, v6  }
0x115: {  	s13 =	sand.u32 $0x3FFFFC00, s17;
	v8 =	vld [tilespmem:s29+$0x2D00]  }
0x116: {  	s13 =	sadd.s32 $0x7C00, s13;
	v3 =	vadd.f32 v10, v3;
	[tilespmem:s28+$0x100] =	vst v4;
	v4 =	vld [tilespmem:s29+$0x2D80];
	v6 =	vadd.f32 v7, v6  }
0x117: {  	s17 =	sor.u32 s4, s13;
	v7 =	vld [tilespmem:s14+$0x5C00]  }
0x118: {  	v53 =	vld [tilespmem:s14+$0x5D00];
	v3 =	vadd.f32 v12, v3;
	v5 =	vadd.f32 v5, v9;
	[tilespmem:s17+$0x0] =	vst v6  }
0x119: {  	v6 =	vld [tilespmem:s24+$0x3C00]  }
0x11a: {  	v3 =	vadd.f32 v13, v3;
	v5 =	vadd.f32 v8, v5;
	v8 =	vld [tilespmem:s24+$0x3C80]  }
0x11b: {  	v9 =	vld [tilespmem:s14+$0x5C80]  }
0x11c: {  	[tilespmem:s16+$0x180] =	vst v3;
	v3 =	vadd.f32 v4, v5;
	v4 =	vld [tilespmem:s24+$0x3D00]  }
0x11d: {  	s30 =	sor.u32 s1, s13;
	v5 =	vld [tilespmem:s0+$0x6C00]  }
0x11e: {  	[tilespmem:s30+$0x0] =	vst v3;
	v3 =	vld [tilespmem:s24+$0x3D80]  }
0x11f: {  	v10 =	vld [tilespmem:s29+$0x3C00];
	v6 =	vadd.f32 v8, v6  }
0x120: {  	v8 =	vld [tilespmem:s29+$0x3C80]  }
0x121: {  	v11 =	vld [tilespmem:s0+$0x6C80];
	v4 =	vadd.f32 v4, v6  }
0x122: {  	v6 =	vld [tilespmem:s29+$0x3D00]  }
0x123: {  	v52 =	vld [tilespmem:s0+$0x6D00];
	v3 =	vadd.f32 v3, v4  }
0x124: {  	s13 =	simm.s32 $0x40;
	v4 =	vld [tilespmem:s29+$0x3D80]  }
0x125: {  	s3 =	simm.s32 $0x100;
	s15 =	sand.u32 $0x60, s13;
	v7 =	vadd.f32 v9, v7;
	v9 =	vld [tilespmem:s0+$0x6D80];
	v8 =	vadd.f32 v8, v10;
	[tilespmem:s17+$0x80] =	vst v3  }
0x126: {  	s4 =	sor.u32 $0x10, s15;
	s0 =	sand.u32 $0xFFFFFE00, s3;
	v3 =	vld [tilespmem:s24+$0x4C00]  }
0x127: {  	s31 =	sor.u32 s0, s4;
	v6 =	vadd.f32 v6, v8;
	v8 =	vld [tilespmem:s24+$0x4C80]  }
0x128: {  	v16 =	vld [tilespmem:s31+$0x2D00]  }
0x129: {  	v4 =	vadd.f32 v4, v6;
	v6 =	vld [tilespmem:s24+$0x4D00]  }
0x12a: {  	v10 =	vld [tilespmem:s14+$0x5D80]  }
0x12b: {  	[tilespmem:s30+$0x80] =	vst v4;
	v4 =	vld [tilespmem:s24+$0x4D80]  }
0x12c: {  	s0 =	sor.u32 s15, s0;
	v17 =	vld [tilespmem:s31+$0x2D80];
	v3 =	vadd.f32 v8, v3  }
0x12d: {  	v7 =	vadd.f32 v53, v7;
	v56 =	vld [tilespmem:s0+$0x2D00]  }
0x12e: {  	v54 =	vld [tilespmem:s29+$0x4C00];
	v3 =	vadd.f32 v6, v3  }
0x12f: {  	v7 =	vadd.f32 v10, v7;
	v8 =	vld [tilespmem:s29+$0x4C80]  }
0x130: {  	v10 =	vld [tilespmem:s29+$0x4D00];
	v3 =	vadd.f32 v4, v3  }
0x131: {  	[tilespmem:s28+$0x180] =	vst v7;
	v7 =	vld [tilespmem:s31+$0x2C80]  }
0x132: {  	v4 =	vld [tilespmem:s31+$0x2C00];
	[tilespmem:s17+$0x100] =	vst v3  }
0x133: {  	v3 =	vld [tilespmem:s24+$0x5C00]  }
0x134: {  	v15 =	vld [tilespmem:s24+$0x5C80]  }
0x135: {  	v6 =	vld [tilespmem:s29+$0x4D80]  }
0x136: {  	v8 =	vadd.f32 v8, v54;
	v55 =	vld [tilespmem:s24+$0x5D00]  }
0x137: {  	v14 =	vld [tilespmem:s14+$0x6C00]  }
0x138: {  	v8 =	vadd.f32 v10, v8;
	v4 =	vadd.f32 v7, v4;
	v7 =	vld [tilespmem:s24+$0x5D80]  }
0x139: {  	v10 =	vld [tilespmem:s0+$0x2C00];
	v3 =	vadd.f32 v15, v3  }
0x13a: {  	s3 =	simm.s32 $0x200;
	v6 =	vadd.f32 v6, v8;
	v8 =	vld [tilespmem:s0+$0x2C80];
	v4 =	vadd.f32 v16, v4  }
0x13b: {  	s3 =	sand.u32 $0x3FFFFC00, s3;
	v62 =	vld [tilespmem:s14+$0x6C80];
	v3 =	vadd.f32 v55, v3  }
0x13c: {  	s3 =	sadd.s32 $0x7C00, s3;
	[tilespmem:s30+$0x100] =	vst v6;
	v6 =	vld [tilespmem:s0+$0x2D80];
	v4 =	vadd.f32 v17, v4  }
0x13d: {  	s1 =	sor.u32 s4, s3;
	v57 =	vld [tilespmem:s29+$0x5C00];
	v3 =	vadd.f32 v7, v3  }
0x13e: {  	[tilespmem:s1+$0x0] =	vst v4;
	v4 =	vld [tilespmem:s29+$0x5C80]  }
0x13f: {  	v7 =	vld [tilespmem:s31+$0x3C00];
	[tilespmem:s17+$0x180] =	vst v3;
	v3 =	vadd.f32 v8, v10  }
0x140: {  	v58 =	vld [tilespmem:s31+$0x3C80]  }
0x141: {  	v8 =	vld [tilespmem:s24+$0x6C00];
	v3 =	vadd.f32 v56, v3  }
0x142: {  	v10 =	vld [tilespmem:s24+$0x6C80]  }
0x143: {  	v3 =	vadd.f32 v6, v3;
	v6 =	vld [tilespmem:s31+$0x3D00]  }
0x144: {  	s15 =	sor.u32 s15, s3;
	v59 =	vld [tilespmem:s24+$0x6D00]  }
0x145: {  	[tilespmem:s15+$0x0] =	vst v3;
	v3 =	vld [tilespmem:s31+$0x3D80]  }
0x146: {  	v7 =	vadd.f32 v58, v7;
	v18 =	vld [tilespmem:s0+$0x3C00]  }
0x147: {  	v61 =	vld [tilespmem:s0+$0x3C80]  }
0x148: {  	v60 =	vld [tilespmem:s24+$0x6D80];
	v6 =	vadd.f32 v6, v7  }
0x149: {  	v19 =	vld [tilespmem:s0+$0x3D00]  }
0x14a: {  	v5 =	vadd.f32 v11, v5;
	v3 =	vadd.f32 v3, v6;
	v6 =	vld [tilespmem:s29+$0x5D00]  }
0x14b: {  	v8 =	vadd.f32 v10, v8;
	v7 =	vld [tilespmem:s0+$0x3D80]  }
0x14c: {  	v5 =	vadd.f32 v52, v5;
	v10 =	vld [tilespmem:s29+$0x5D80];
	v11 =	vadd.f32 v61, v18;
	[tilespmem:s1+$0x80] =	vst v3  }
0x14d: {  	v3 =	vadd.f32 v4, v57;
	v4 =	vadd.f32 v59, v8;
	v63 =	vld [tilespmem:s31+$0x4C00]  }
0x14e: {  	v5 =	vadd.f32 v9, v5;
	v8 =	vadd.f32 v19, v11;
	v9 =	vld [tilespmem:s31+$0x4C80]  }
0x14f: {  	v11 =	vadd.f32 v60, v4;
	v4 =	vld [tilespmem:s14+$0x6D00];
	v3 =	vadd.f32 v6, v3  }
0x150: {  	[tilespmem:s16+$0x200] =	vst v5;
	v5 =	vadd.f32 v7, v8;
	v7 =	vld [tilespmem:s31+$0x4D00]  }
0x151: {  	[tilespmem:s17+$0x200] =	vst v11;
	v10 =	vadd.f32 v10, v3;
	v3 =	vld [tilespmem:s14+$0x6D80]  }
0x152: {  	v8 =	vld [tilespmem:s31+$0x4D80];
	[tilespmem:s15+$0x80] =	vst v5;
	v5 =	vadd.f32 v62, v14  }
0x153: {  	s14 =	simm.s32 $0x4;
	v6 =	vld [tilespmem:s0+$0x4C00];
	v9 =	vadd.f32 v9, v63;
	[tilespmem:s30+$0x180] =	vst v10  }
.LBB2_6:
0x154: {  	s14 =	sadd.s32 $0x2, s14;
	v10 =	vld [tilespmem:s0+$0x4C80];
	s13 =	sadd.s32 $0x20, s13;
	v4 =	vadd.f32 v4, v5  }
0x155: {  	s3 =	sand.u32 $0x60, s13;
	s16 =	sshll.u32 s14, $0x6;
	p0 =	slt.u32 s14, $0x3E;
	v5 =	vld [tilespmem:s0+$0x4D00];
	v7 =	vadd.f32 v7, v9  }
0x156: {  	s17 =	sand.u32 $0xFFFFFE00, s16;
	s24 =	sor.u32 $0x10, s3;
	v9 =	vld [tilespmem:s0+$0x4D80];
	v3 =	vadd.f32 v3, v4  }
0x157: {  	s16 =	sor.u32 s3, s17;
	s17 =	sor.u32 s17, s24;
	v4 =	vadd.f32 v8, v7;
	v8 =	vld [tilespmem:s29+$0x6C00]  }
0x158: {  	v7 =	vld [tilespmem:s17+$0x2C00];
	[tilespmem:s28+$0x200] =	vst v3;
	s28 =	smov.u32 s30;
	s30 =	smov.u32 s15  }
0x159: {  	v3 =	vld [tilespmem:s17+$0x2C80];
	v6 =	vadd.f32 v10, v6;
	[tilespmem:s1+$0x100] =	vst v4  }
0x15a: {  	v4 =	vld [tilespmem:s31+$0x5C00]  }
0x15b: {  	v5 =	vadd.f32 v5, v6;
	v6 =	vld [tilespmem:s31+$0x5C80]  }
0x15c: {  	v10 =	vld [tilespmem:s17+$0x2D00]  }
0x15d: {  	v5 =	vadd.f32 v9, v5;
	v9 =	vld [tilespmem:s31+$0x5D00]  }
0x15e: {  	v11 =	vld [tilespmem:s17+$0x2D80]  }
0x15f: {  	v3 =	vadd.f32 v3, v7;
	[tilespmem:s30+$0x100] =	vst v5;
	v5 =	vld [tilespmem:s31+$0x5D80]  }
0x160: {  	v7 =	vld [tilespmem:s16+$0x2C00];
	v4 =	vadd.f32 v6, v4  }
0x161: {  	s15 =	sshll.u32 s14, $0x7;
	v6 =	vld [tilespmem:s16+$0x2C80];
	v3 =	vadd.f32 v10, v3  }
0x162: {  	s15 =	sand.u32 $0x3FFFFC00, s15;
	v10 =	vld [tilespmem:s16+$0x2D00];
	v4 =	vadd.f32 v9, v4  }
0x163: {  	s4 =	sadd.s32 $0x7C00, s15;
	v9 =	vld [tilespmem:s16+$0x2D80];
	v3 =	vadd.f32 v11, v3  }
0x164: {  	s15 =	sor.u32 s3, s4;
	s3 =	sor.u32 s24, s4;
	v11 =	vld [tilespmem:s0+$0x5C00];
	v4 =	vadd.f32 v5, v4  }
0x165: {  	[tilespmem:s3+$0x0] =	vst v3;
	v3 =	vld [tilespmem:s0+$0x5C80]  }
0x166: {  	v5 =	vadd.f32 v6, v7;
	v6 =	vld [tilespmem:s17+$0x3C00];
	[tilespmem:s1+$0x180] =	vst v4  }
0x167: {  	v4 =	vld [tilespmem:s31+$0x6C00]  }
0x168: {  	v5 =	vadd.f32 v10, v5;
	v7 =	vld [tilespmem:s31+$0x6C80]  }
0x169: {  	v10 =	vld [tilespmem:s17+$0x3C80]  }
0x16a: {  	v5 =	vadd.f32 v9, v5;
	v3 =	vadd.f32 v3, v11;
	v9 =	vld [tilespmem:s31+$0x6D00]  }
0x16b: {  	v11 =	vld [tilespmem:s17+$0x3D00]  }
0x16c: {  	[tilespmem:s15+$0x0] =	vst v5;
	v5 =	vld [tilespmem:s31+$0x6D80];
	s31 =	smov.u32 s17  }
0x16d: {  	v12 =	vld [tilespmem:s31+$0x3D80];
	v4 =	vadd.f32 v7, v4  }
0x16e: {  	v7 =	vld [tilespmem:s16+$0x3C00];
	v6 =	vadd.f32 v10, v6  }
0x16f: {  	v10 =	vld [tilespmem:s16+$0x3C80];
	v4 =	vadd.f32 v9, v4  }
0x170: {  	v9 =	vld [tilespmem:s16+$0x3D00];
	v6 =	vadd.f32 v11, v6  }
0x171: {  	v11 =	vld [tilespmem:s16+$0x3D80];
	v4 =	vadd.f32 v5, v4  }
0x172: {  	v5 =	vadd.f32 v12, v6;
	v6 =	vld [tilespmem:s0+$0x5D00]  }
0x173: {  	v12 =	vld [tilespmem:s0+$0x5D80];
	[tilespmem:s1+$0x200] =	vst v4;
	s1 =	smov.u32 s3  }
0x174: {  	v4 =	vadd.f32 v10, v7;
	[tilespmem:s1+$0x80] =	vst v5;
	v5 =	vld [tilespmem:s29+$0x6C80]  }
0x175: {  	v10 =	vld [tilespmem:s31+$0x4C00]  }
0x176: {  	v7 =	vadd.f32 v9, v4;
	v9 =	vld [tilespmem:s31+$0x4C80]  }
.Ltmp2:
0x177: {  	v3 =	vadd.f32 v6, v3;
	v4 =	vld [tilespmem:s29+$0x6D00];
	(pc) =	sbr.rel @p0 .LBB2_6-.Ltmp2, $4  }
0x178: {  	v6 =	vadd.f32 v11, v7;
	v7 =	vld [tilespmem:s31+$0x4D00]  }
0x179: {  	v11 =	vadd.f32 v12, v3;
	v5 =	vadd.f32 v5, v8;
	v3 =	vld [tilespmem:s29+$0x6D80];
	s29 =	smov.u32 s0;
	s0 =	smov.u32 s16  }
0x17a: {  	[tilespmem:s15+$0x80] =	vst v6;
	v8 =	vld [tilespmem:s31+$0x4D80]  }
0x17b: {  	v6 =	vld [tilespmem:s0+$0x4C00];
	v9 =	vadd.f32 v9, v10;
	[tilespmem:s30+$0x180] =	vst v11  }
0x17c: {  	v10 =	vld [tilespmem:s0+$0x4C80];
	_ =	sdelay $0x1  }
0x17d: {  	v11 =	vld [tilespmem:s0+$0x4D00];
	_ =	sdelay $0x1  }
0x17e: {  	v45 =	vld [tilespmem:s0+$0x4D80];
	v7 =	vadd.f32 v7, v9  }
0x17f: {  	v6 =	vadd.f32 v10, v6  }
0x180: {  	v7 =	vadd.f32 v8, v7  }
0x181: {  	v6 =	vadd.f32 v11, v6  }
0x182: {  	[tilespmem:s1+$0x100] =	vst v7  }
0x183: {  	v7 =	vld [tilespmem:s31+$0x5C00];
	v6 =	vadd.f32 v45, v6  }
0x184: {  	v46 =	vld [tilespmem:s31+$0x5C80]  }
0x185: {  	v47 =	vld [tilespmem:s31+$0x5D00];
	[tilespmem:s15+$0x100] =	vst v6  }
0x186: {  	v49 =	vld [tilespmem:s0+$0x5C00]  }
0x187: {  	v50 =	vld [tilespmem:s0+$0x5C80]  }
0x188: {  	v48 =	vld [tilespmem:s31+$0x5D80]  }
0x189: {  	v51 =	vld [tilespmem:s0+$0x5D00]  }
0x18a: {  	v7 =	vadd.f32 v46, v7  }
0x18b: {  	v52 =	vld [tilespmem:s0+$0x5D80]  }
0x18c: {  	v7 =	vadd.f32 v47, v7;
	v8 =	vadd.f32 v50, v49  }
0x18d: {  	v53 =	vld [tilespmem:s29+$0x6C00]  }
0x18e: {  	v12 =	vld [tilespmem:s29+$0x6C80];
	v6 =	vadd.f32 v48, v7;
	v8 =	vadd.f32 v51, v8  }
0x18f: {  	v14 =	vld [tilespmem:s29+$0x6D00]  }
0x190: {  	v57 =	vld [tilespmem:s29+$0x6D80];
	[tilespmem:s1+$0x180] =	vst v6;
	v7 =	vadd.f32 v52, v8  }
0x191: {  	v6 =	vld [tilespmem:s31+$0x6C00]  }
0x192: {  	v54 =	vld [tilespmem:s31+$0x6C80];
	[tilespmem:s15+$0x180] =	vst v7  }
0x193: {  	v7 =	vld [tilespmem:s0+$0x6C00]  }
0x194: {  	v13 =	vld [tilespmem:s0+$0x6C80]  }
0x195: {  	v55 =	vld [tilespmem:s31+$0x6D00]  }
0x196: {  	v4 =	vadd.f32 v4, v5;
	v15 =	vld [tilespmem:s0+$0x6D00]  }
0x197: {  	v58 =	vadd.f32 v12, v53;
	v56 =	vld [tilespmem:s31+$0x6D80]  }
0x198: {  	v3 =	vadd.f32 v3, v4;
	v6 =	vadd.f32 v54, v6;
	v59 =	vld [tilespmem:s0+$0x6D80]  }
0x199: {  	v60 =	vadd.f32 v14, v58;
	v7 =	vadd.f32 v13, v7  }
0x19a: {  	v6 =	vadd.f32 v55, v6  }
0x19b: {  	[tilespmem:s28+$0x200] =	vst v3;
	v3 =	vadd.f32 v57, v60;
	v62 =	vadd.f32 v15, v7  }
0x19c: {  	v61 =	vadd.f32 v56, v6  }
0x19d: {  	s26 =	sadd.s32 $0x1, s26;
	[tilespmem:s30+$0x200] =	vst v3;
	v63 =	vadd.f32 v59, v62  }
0x19e: {  	p0 =	sne.s32 s26, s10;
	[tilespmem:s1+$0x200] =	vst v61  }
.Ltmp3:
0x19f: {  	s31 =	simm.s32 $0x7C00;
	[tilespmem:s15+$0x200] =	vst v63;
	(pc) =	sbr.rel @p0 .LBB2_1-.Ltmp3, $4  }
0x1a0: {  	[hbm4b:s9+s2] =	stream.linear.scatter [tilespmem:s31], [sflag:$0x2], $0x2000, $0x38;
	[tilespmem:$0x9C00] =	vst v63  }
0x1a1: {  	_ =	swait.ge [sflag:s25], $0x2000  }
0x1a2: {  	[sflag:s25] =	ssyncset.done $0x0  }
0x1a3: {  	[sflag:s25] =	ssyncadd.s32 $0xFFFFE000  }
0x1a4: {  	_ =	sfence.sel $0x180000  }
0x1a5: {  	[bflag:$0x0] =	sbarrier.arrive $0xFFFF  }
0x1a6: {  	_ =	strace $0x90000047  }
0x1a7: {  	s0 =	stileid.u32;
	[bflag:$0x2] =	sbarrier.arrive $0xFFFF  }
0x1a8: {  	p0 =	sne.s32 s0, $0x0;
	s0 =	rddreg [dreg:$0x4]  }
0x1a9: {  	s0 =	sadd.s32 @!p0 $0x100000, s0  }
0x1aa: {  	[sflag:s0] =	ssyncadd.tile.s32 @!p0 $0x1;
	_ =	shalt  }
.Lfunc_end2:
_tile_overlayer_lowered:
.L_overlay_start_2:
0x1ab: {  	(tag) =	ssettag $0x2  }
0x1ac: {  	s0 =	rddreg [dreg:$0x0];
	s2 =	stileid.u32  }
0x1ad: {  	s1 =	rddreg [dreg:$0x1];
	p0 =	sne.s32 s2, $0x0  }
0x1ae: {  	s3 =	rddreg [dreg:$0x2];
	[bflag:$0x3] =	sbarrier.arrive $0xFFFF;
	s2 =	simm.s32 @!p0 $0x1C02  }
0x1af: {  	[timem:s3], [sflag:s2] =	dma.local @!p0 [hbm:s0], s1  }
0x1b0: {  	s0 =	simm.s32 @!p0 $0x2  }
0x1b1: {  	_ =	swait.ge @!p0 [sflag:s0], s1  }
0x1b2: {  	s1 =	ssub.s32 @!p0 $0x0, s1;
	[sflag:s0] =	ssyncset.done @!p0 $0x0  }
0x1b3: {  	[sflag:s0] =	ssyncadd.s32 @!p0 s1  }
0x1b4: {  	[bflag:$0x3] =	sbarrier.arrive $0xFFFF  }
0x1b5: {  	_ =	shalt  }

</sc_bundles>
